<compile_context>
chip_gen: v7x
topology: tpu7x:2x2x1
jax: 0.10.2.dev20260603
libtpu: 0.0.44.dev20260713+nightly
codegen_flags: <defaults>
</compile_context>

<pallas_src>
import functools

import jax
import jax.numpy as jnp
from jax import lax
from jax.experimental import pallas as pl
from jax.experimental.pallas import tpu as pltpu
from jax.experimental.pallas import tpu_sc as plsc

_DIM = 33
_GRID = _DIM ** 3
_GRID_PAD = 2247 * 16
_LANES = 16
_CH = 4096
_HALF = 131072
_NCHUNK = _HALF // _CH
_INV_BIN = float((_DIM - 1) / 1.000001)

_CORNER_OFF = [(dr, dg, db, dr * _DIM * _DIM + dg * _DIM + db)
               for dr in (0, 1) for dg in (0, 1) for db in (0, 1)]


def _sc_body(inp_ref, msk_ref, out_ref, part_ref,
             grid_v, rbuf, gbuf, bbuf, mbuf, obuf):
    c = lax.axis_index("c")
    s = lax.axis_index("s")
    b = c * 2 + s // 8
    rem = s % 8
    acc = rem // 2
    h = rem % 2
    o_ch = jnp.maximum(acc - 1, 0)
    is_cnt = jnp.broadcast_to(acc == 0, (_LANES,))
    p0 = h * _HALF

    zer = jnp.zeros((_LANES,), jnp.float32)

    def zbody(j, carry):
        grid_v[pl.ds(j * _LANES, _LANES)] = zer
        return carry

    lax.fori_loop(0, _GRID_PAD // _LANES, zbody, 0)

    def vec_body(i, carry):
        off = i * _LANES
        r = rbuf[pl.ds(off, _LANES)]
        g = gbuf[pl.ds(off, _LANES)]
        bl = bbuf[pl.ds(off, _LANES)]
        m = mbuf[pl.ds(off, _LANES)]
        o = obuf[pl.ds(off, _LANES)]

        xr = r * _INV_BIN
        xg = g * _INV_BIN
        xb = bl * _INV_BIN
        ir = xr.astype(jnp.int32)
        ig = xg.astype(jnp.int32)
        ib = xb.astype(jnp.int32)
        irf = ir.astype(jnp.float32)
        igf = ig.astype(jnp.float32)
        ibf = ib.astype(jnp.float32)
        fr = xr - irf
        fg = xg - igf
        fb = xb - ibf

        f = jnp.where(is_cnt, m, m * o)
        a1 = fr * f
        a0 = f - a1
        g1 = fg
        g0 = 1.0 - fg
        b1 = fb
        b0 = 1.0 - fb
        ag = {(0, 0): a0 * g0, (0, 1): a0 * g1,
              (1, 0): a1 * g0, (1, 1): a1 * g1}
        bw = {0: b0, 1: b1}
        base = ir * (_DIM * _DIM) + ig * _DIM + ib
        for dr, dg, db, offc in _CORNER_OFF:
            w = ag[(dr, dg)] * bw[db]
            idx = base + offc
            plsc.addupdate_scatter(grid_v, [idx], w)
        return carry

    npix = 2 * _HALF

    def chunk_body(k, carry):
        base_p = p0 + k * _CH
        inp_base = b * 3 * npix + base_p
        pltpu.sync_copy(inp_ref.at[pl.ds(inp_base, _CH)], rbuf)
        pltpu.sync_copy(inp_ref.at[pl.ds(inp_base + npix, _CH)], gbuf)
        pltpu.sync_copy(inp_ref.at[pl.ds(inp_base + 2 * npix, _CH)], bbuf)
        pltpu.sync_copy(msk_ref.at[pl.ds(b * npix + base_p, _CH)], mbuf)
        pltpu.sync_copy(out_ref.at[pl.ds((b * 3 + o_ch) * npix + base_p, _CH)],
                        obuf)
        lax.fori_loop(0, _CH // _LANES, vec_body, 0)
        return carry

    lax.fori_loop(0, _NCHUNK, chunk_body, 0)

    pltpu.sync_copy(grid_v, part_ref.at[c * 16 + s])


def _make_sc_scatter():
    mesh = plsc.VectorSubcoreMesh(core_axis_name="c", subcore_axis_name="s")
    return pl.kernel(
        _sc_body,
        out_type=jax.ShapeDtypeStruct((32, _GRID_PAD), jnp.float32),
        mesh=mesh,
        compiler_params=pltpu.CompilerParams(needs_layout_passes=False),
        scratch_types=[
            pltpu.VMEM((_GRID_PAD,), jnp.float32),
            pltpu.VMEM((_CH,), jnp.float32),
            pltpu.VMEM((_CH,), jnp.float32),
            pltpu.VMEM((_CH,), jnp.float32),
            pltpu.VMEM((_CH,), jnp.float32),
            pltpu.VMEM((_CH,), jnp.float32),
        ],
    )


def _epi_body(p_ref, lut_ref, cnt_ref):
    for b in range(4):
        cc = b // 2
        sb = (b % 2) * 8

        def g(acc, h):
            return cc * 16 + sb + acc * 2 + h

        cnt = p_ref[g(0, 0), :] + p_ref[g(0, 1), :]
        pos = cnt > 0
        safe = jnp.where(pos, cnt, 1.0)
        for ch in range(3):
            lut = p_ref[g(ch + 1, 0), :] + p_ref[g(ch + 1, 1), :]
            lut_ref[b * 3 + ch, :] = jnp.where(pos, lut / safe, 0.0)
            cnt_ref[b * 3 + ch, :] = cnt


def _epilogue(parts):
    return pl.pallas_call(
        _epi_body,
        out_shape=(jax.ShapeDtypeStruct((12, _GRID_PAD), jnp.float32),
                   jax.ShapeDtypeStruct((12, _GRID_PAD), jnp.float32)),
    )(parts)


def kernel(mask, input, output):
    B, C, H, W = input.shape
    inp2 = input.reshape(B * C * H * W)
    msk2 = mask.reshape(B * H * W)
    out2 = output.reshape(B * C * H * W)
    parts = _make_sc_scatter()(inp2, msk2, out2)
    lutf, cntf = _epilogue(parts)
    lut = lutf[:, :_GRID].reshape(B, C, _DIM, _DIM, _DIM)
    cnt = cntf[:, :_GRID].reshape(B, C, _DIM, _DIM, _DIM)
    return (lut, cnt, output)

# --- scband reference (transcript-rebuilt; emitter-appended) ---
"""Pipeline reference for scband-tridistribute-generaotr-52501680226536 (READ-ONLY COPY).

The authoritative reference and input builder live on the scoring server;
editing this copy changes nothing except your own understanding.
"""

import jax, jax.numpy as jnp
import numpy as np

DIM = 33


def setup_inputs(seed: int = 0) -> dict:
    key = jax.random.key(seed)
    k1, k2, k3 = jax.random.split(key, 3)
    B, H, W = 4, 512, 512
    mask = jax.random.uniform(k1, (B, 1, H, W), dtype=jnp.float32)
    inp = jax.random.uniform(k2, (B, 3, H, W), dtype=jnp.float32)
    out = jax.random.uniform(k3, (B, 3, H, W), dtype=jnp.float32)
    return {"mask": mask, "input": inp, "output": out}


def _build_lut(mask, inp, outp, dim=DIM):
    # Faithful translation of the tridistribute CUDA kernel semantics:
    # each pixel's RGB value in `inp` selects a trilinear cell in a dim^3 LUT;
    # the corresponding `outp` pixel value is scatter-added to the 8 cell corners
    # with trilinear weights, gated by `mask`. lut_count accumulates the weights.
    # Then lut is normalized by lut_count (the tridistribute.divide step).
    binsize = 1.000001 / (dim - 1)
    B, C, H, W = inp.shape
    shift = dim ** 3
    r = inp[:, 0]
    g = inp[:, 1]
    b = inp[:, 2]
    xr = r / binsize
    xg = g / binsize
    xb = b / binsize
    ir = jnp.floor(xr)
    ig = jnp.floor(xg)
    ib = jnp.floor(xb)
    fr = xr - ir
    fg = xg - ig
    fb = xb - ib
    ir = ir.astype(jnp.int32)
    ig = ig.astype(jnp.int32)
    ib = ib.astype(jnp.int32)
    m = mask[:, 0]
    base = (jnp.arange(B, dtype=jnp.int32) * C)[:, None, None, None] + jnp.arange(C, dtype=jnp.int32)[None, :, None, None]
    lut_flat = jnp.zeros((B * C * shift,), dtype=jnp.float32)
    cnt_flat = jnp.zeros((B * C * shift,), dtype=jnp.float32)
    for dr in (0, 1):
        wr = fr if dr == 1 else (1.0 - fr)
        for dg in (0, 1):
            wg = fg if dg == 1 else (1.0 - fg)
            for db in (0, 1):
                wb = fb if db == 1 else (1.0 - fb)
                w = wr * wg * wb * m  # (B, H, W)
                cell = (ir + dr) * (dim * dim) + (ig + dg) * dim + (ib + db)  # (B, H, W)
                idx = base * shift + cell[:, None, :, :]  # (B, C, H, W)
                vals = outp * w[:, None, :, :]
                lut_flat = lut_flat.at[idx.reshape(-1)].add(vals.reshape(-1))
                cnt_flat = cnt_flat.at[idx.reshape(-1)].add(
                    jnp.broadcast_to(w[:, None, :, :], vals.shape).reshape(-1))
    lut = lut_flat.reshape(B, C, dim, dim, dim)
    cnt = cnt_flat.reshape(B, C, dim, dim, dim)
    safe = jnp.where(cnt > 0, cnt, 1.0)
    lut = jnp.where(cnt > 0, lut / safe, 0.0)
    return lut, cnt


def reference(mask, input, output):
    lut, lut_count = _build_lut(mask, input, output)
    return (lut, lut_count, output)

if __name__ == "__main__":
    import jax
    _d = setup_inputs()
    print(jax.jit(kernel)(*tuple(_d.values())))

</pallas_src>

<mosaic_0001>
#map = affine_map<(d0, d1) -> (0)>
#map1 = affine_map<(d0, d1) -> (0, 0)>
module attributes {stable_mosaic.version = 14 : i64} {
  func.func @_sc_body(%arg0: i32, %arg1: i32, %arg2: memref<3145728xf32, #tpu.memory_space<hbm>>, %arg3: memref<1048576xf32, #tpu.memory_space<hbm>>, %arg4: memref<3145728xf32, #tpu.memory_space<hbm>>, %arg5: memref<32x35952xf32, #tpu.memory_space<hbm>>, %arg6: memref<35952xf32, #tpu.memory_space<vmem>>, %arg7: memref<4096xf32, #tpu.memory_space<vmem>>, %arg8: memref<4096xf32, #tpu.memory_space<vmem>>, %arg9: memref<4096xf32, #tpu.memory_space<vmem>>, %arg10: memref<4096xf32, #tpu.memory_space<vmem>>, %arg11: memref<4096xf32, #tpu.memory_space<vmem>>) attributes {dimension_semantics = [#tpu.dimension_semantics<core_parallel>, #tpu.dimension_semantics<subcore_parallel>], iteration_bounds = array<i64: 2, 16>, scalar_prefetch = 0 : i64, scratch_operands = 6 : i64, tpu.core_type = #tpu.core_type<sc_vector_subcore>, window_params = [{transform_indices = #map}, {transform_indices = #map}, {transform_indices = #map}, {transform_indices = #map1}]} {
    %mul3A = arith.constant 2 : i32
    %mul3A_0 = arith.muli %arg0, %mul3A : i32
    %jit3A = arith.constant 8 : i32
    %div3A = arith.divsi %arg1, %jit3A : i32
    %sign3A = arith.constant 0 : i32
    %sign3A_1 = arith.cmpi sgt, %arg1, %sign3A : i32
    %sign3A_2 = arith.extui %sign3A_1 : i1 to i32
    %sign3A_3 = arith.constant 0 : i32
    %sign3A_4 = arith.cmpi slt, %arg1, %sign3A_3 : i32
    %sign3A_5 = arith.extui %sign3A_4 : i1 to i32
    %sign3A_6 = arith.subi %sign3A_2, %sign3A_5 : i32
    %sign3A_7 = arith.constant 0 : i32
    %sign3A_8 = arith.cmpi sgt, %jit3A, %sign3A_7 : i32
    %sign3A_9 = arith.extui %sign3A_8 : i1 to i32
    %sign3A_10 = arith.constant 0 : i32
    %sign3A_11 = arith.cmpi slt, %jit3A, %sign3A_10 : i32
    %sign3A_12 = arith.extui %sign3A_11 : i1 to i32
    %sign3A_13 = arith.subi %sign3A_9, %sign3A_12 : i32
    %ne3A = arith.cmpi ne, %sign3A_6, %sign3A_13 : i32
    %rem3A = arith.remsi %arg1, %jit3A : i32
    %ne3A_14 = arith.constant 0 : i32
    %ne3A_15 = arith.cmpi ne, %rem3A, %ne3A_14 : i32
    %and3A = arith.andi %ne3A, %ne3A_15 : i1
    %sub3A = arith.constant 1 : i32
    %sub3A_16 = arith.subi %div3A, %sub3A : i32
    %select_n3A = arith.select %and3A, %sub3A_16, %div3A : i32
    %add3A = arith.addi %mul3A_0, %select_n3A : i32
    %jit3A_17 = arith.constant 8 : i32
    %eq3A = arith.constant 0 : i32
    %eq3A_18 = arith.cmpi eq, %jit3A_17, %eq3A : i32
    %jit3A_19 = arith.constant 1 : i32
    %select_n3A_20 = arith.select %eq3A_18, %jit3A_19, %jit3A_17 : i32
    %rem3A_21 = arith.remsi %arg1, %select_n3A_20 : i32
    %ne3A_22 = arith.constant 0 : i32
    %ne3A_23 = arith.cmpi ne, %rem3A_21, %ne3A_22 : i32
    %lt3A = arith.constant 0 : i32
    %lt3A_24 = arith.cmpi slt, %rem3A_21, %lt3A : i32
    %lt3A_25 = arith.constant 0 : i32
    %lt3A_26 = arith.cmpi slt, %select_n3A_20, %lt3A_25 : i32
    %ne3A_27 = arith.xori %lt3A_24, %lt3A_26 : i1
    %and3A_28 = arith.andi %ne3A_27, %ne3A_23 : i1
    %add3A_29 = arith.addi %rem3A_21, %select_n3A_20 : i32
    %select_n3A_30 = arith.select %and3A_28, %add3A_29, %rem3A_21 : i32
    %jit3A_31 = arith.constant 2 : i32
    %div3A_32 = arith.divsi %select_n3A_30, %jit3A_31 : i32
    %sign3A_33 = arith.constant 0 : i32
    %sign3A_34 = arith.cmpi sgt, %select_n3A_30, %sign3A_33 : i32
    %sign3A_35 = arith.extui %sign3A_34 : i1 to i32
    %sign3A_36 = arith.constant 0 : i32
    %sign3A_37 = arith.cmpi slt, %select_n3A_30, %sign3A_36 : i32
    %sign3A_38 = arith.extui %sign3A_37 : i1 to i32
    %sign3A_39 = arith.subi %sign3A_35, %sign3A_38 : i32
    %sign3A_40 = arith.constant 0 : i32
    %sign3A_41 = arith.cmpi sgt, %jit3A_31, %sign3A_40 : i32
    %sign3A_42 = arith.extui %sign3A_41 : i1 to i32
    %sign3A_43 = arith.constant 0 : i32
    %sign3A_44 = arith.cmpi slt, %jit3A_31, %sign3A_43 : i32
    %sign3A_45 = arith.extui %sign3A_44 : i1 to i32
    %sign3A_46 = arith.subi %sign3A_42, %sign3A_45 : i32
    %ne3A_47 = arith.cmpi ne, %sign3A_39, %sign3A_46 : i32
    %rem3A_48 = arith.remsi %select_n3A_30, %jit3A_31 : i32
    %ne3A_49 = arith.constant 0 : i32
    %ne3A_50 = arith.cmpi ne, %rem3A_48, %ne3A_49 : i32
    %and3A_51 = arith.andi %ne3A_47, %ne3A_50 : i1
    %sub3A_52 = arith.constant 1 : i32
    %sub3A_53 = arith.subi %div3A_32, %sub3A_52 : i32
    %select_n3A_54 = arith.select %and3A_51, %sub3A_53, %div3A_32 : i32
    %jit3A_55 = arith.constant 2 : i32
    %eq3A_56 = arith.constant 0 : i32
    %eq3A_57 = arith.cmpi eq, %jit3A_55, %eq3A_56 : i32
    %jit3A_58 = arith.constant 1 : i32
    %select_n3A_59 = arith.select %eq3A_57, %jit3A_58, %jit3A_55 : i32
    %rem3A_60 = arith.remsi %select_n3A_30, %select_n3A_59 : i32
    %ne3A_61 = arith.constant 0 : i32
    %ne3A_62 = arith.cmpi ne, %rem3A_60, %ne3A_61 : i32
    %lt3A_63 = arith.constant 0 : i32
    %lt3A_64 = arith.cmpi slt, %rem3A_60, %lt3A_63 : i32
    %lt3A_65 = arith.constant 0 : i32
    %lt3A_66 = arith.cmpi slt, %select_n3A_59, %lt3A_65 : i32
    %ne3A_67 = arith.xori %lt3A_64, %lt3A_66 : i1
    %and3A_68 = arith.andi %ne3A_67, %ne3A_62 : i1
    %add3A_69 = arith.addi %rem3A_60, %select_n3A_59 : i32
    %select_n3A_70 = arith.select %and3A_68, %add3A_69, %rem3A_60 : i32
    %sub3A_71 = arith.constant 1 : i32
    %sub3A_72 = arith.subi %select_n3A_54, %sub3A_71 : i32
    %max3A = arith.constant 0 : i32
    %max3A_73 = arith.maxsi %sub3A_72, %max3A : i32
    %eq3A_74 = arith.constant 0 : i32
    %eq3A_75 = arith.cmpi eq, %select_n3A_54, %eq3A_74 : i32
    %broadcast_in_dim3A = vector.broadcast %eq3A_75 : i1 to vector<16xi1>
    %mul3A_76 = arith.constant 131072 : i32
    %mul3A_77 = arith.muli %select_n3A_70, %mul3A_76 : i32
    %broadcast_in_dim3A_78 = arith.constant 0.000000e+00 : f32
    %broadcast_in_dim3A_79 = vector.broadcast %broadcast_in_dim3A_78 : f32 to vector<16xf32>
    %scan3A = arith.constant 0 : i32
    %scan3A_80 = arith.constant 0 : i32
    %scan3A_81 = arith.constant 2247 : i32
    %scan3A_82 = arith.addi %scan3A_80, %scan3A_81 : i32
    %scan3A_83 = arith.constant 1 : i32
    scf.for %scan3A_94 = %scan3A_80 to %scan3A_82 step %scan3A_83  : i32 {
      %mul3A_95 = arith.constant 16 : i32
      %mul3A_96 = arith.muli %scan3A_94, %mul3A_95 : i32
      %swap3A = arith.index_cast %mul3A_96 : i32 to index
      %swap3A_97 = tpu.vector_load %arg6[%swap3A] {strides = array<i32>} : memref<35952xf32, #tpu.memory_space<vmem>>, vector<16xf32>,
      tpu.vector_store %arg6[%swap3A], %broadcast_in_dim3A_79 {strides = array<i32>} : memref<35952xf32, #tpu.memory_space<vmem>>, vector<16xf32>,
    }
    %scan3A_84 = arith.constant 2247 : i32
    %scan3A_85 = arith.constant 0 : i32
    %scan3A_86 = arith.constant 0 : i32
    %scan3A_87 = arith.constant 32 : i32
    %scan3A_88 = arith.addi %scan3A_86, %scan3A_87 : i32
    %scan3A_89 = arith.constant 1 : i32
    scf.for %scan3A_94 = %scan3A_86 to %scan3A_88 step %scan3A_89  : i32 {
      %mul3A_95 = arith.constant 4096 : i32
      %mul3A_96 = arith.muli %scan3A_94, %mul3A_95 : i32
      %add3A_97 = arith.addi %mul3A_77, %mul3A_96 : i32
      %mul3A_98 = arith.constant 3 : i32
      %mul3A_99 = arith.muli %add3A, %mul3A_98 : i32
      %mul3A_100 = arith.constant 262144 : i32
      %mul3A_101 = arith.muli %mul3A_99, %mul3A_100 : i32
      %add3A_102 = arith.addi %mul3A_101, %add3A_97 : i32
      "tpu.region"() ({
        %run_scoped3A = tpu.sem_alloc : memref<!tpu.dma_semaphore, #tpu.memory_space<semaphore_mem>>
        %dma_start3A = tpu.memref_slice %arg2[%add3A_102] : memref<3145728xf32, #tpu.memory_space<hbm>> -> memref<4096xf32, #tpu.memory_space<hbm>>
        %dma_start3A_122 = tpu.memref_slice %arg2[%add3A_102] : memref<3145728xf32, #tpu.memory_space<hbm>> -> memref<4096xf32, #tpu.memory_space<hbm>>
        tpu.enqueue_dma source(%dma_start3A_122 : memref<4096xf32, #tpu.memory_space<hbm>>) target(%arg7 : memref<4096xf32, #tpu.memory_space<vmem>>) target_semaphore(%run_scoped3A : memref<!tpu.dma_semaphore, #tpu.memory_space<semaphore_mem>>)
        %dma_wait3A = tpu.memref_slice %arg2[%add3A_102] : memref<3145728xf32, #tpu.memory_space<hbm>> -> memref<4096xf32, #tpu.memory_space<hbm>>
        %dma_wait3A_123 = tpu.memref_slice %arg2[%add3A_102] : memref<3145728xf32, #tpu.memory_space<hbm>> -> memref<4096xf32, #tpu.memory_space<hbm>>
        tpu.wait_dma2 semaphore(%run_scoped3A : memref<!tpu.dma_semaphore, #tpu.memory_space<semaphore_mem>>) src(%dma_wait3A_123 : memref<4096xf32, #tpu.memory_space<hbm>>) dst(%arg7 : memref<4096xf32, #tpu.memory_space<vmem>>)
        tpu.yield
      }) : () -> ()
      %add3A_103 = arith.constant 262144 : i32
      %add3A_104 = arith.addi %add3A_102, %add3A_103 : i32
      "tpu.region"() ({
        %run_scoped3A = tpu.sem_alloc : memref<!tpu.dma_semaphore, #tpu.memory_space<semaphore_mem>>
        %dma_start3A = tpu.memref_slice %arg2[%add3A_104] : memref<3145728xf32, #tpu.memory_space<hbm>> -> memref<4096xf32, #tpu.memory_space<hbm>>
        %dma_start3A_122 = tpu.memref_slice %arg2[%add3A_104] : memref<3145728xf32, #tpu.memory_space<hbm>> -> memref<4096xf32, #tpu.memory_space<hbm>>
        tpu.enqueue_dma source(%dma_start3A_122 : memref<4096xf32, #tpu.memory_space<hbm>>) target(%arg8 : memref<4096xf32, #tpu.memory_space<vmem>>) target_semaphore(%run_scoped3A : memref<!tpu.dma_semaphore, #tpu.memory_space<semaphore_mem>>)
        %dma_wait3A = tpu.memref_slice %arg2[%add3A_104] : memref<3145728xf32, #tpu.memory_space<hbm>> -> memref<4096xf32, #tpu.memory_space<hbm>>
        %dma_wait3A_123 = tpu.memref_slice %arg2[%add3A_104] : memref<3145728xf32, #tpu.memory_space<hbm>> -> memref<4096xf32, #tpu.memory_space<hbm>>
        tpu.wait_dma2 semaphore(%run_scoped3A : memref<!tpu.dma_semaphore, #tpu.memory_space<semaphore_mem>>) src(%dma_wait3A_123 : memref<4096xf32, #tpu.memory_space<hbm>>) dst(%arg8 : memref<4096xf32, #tpu.memory_space<vmem>>)
        tpu.yield
      }) : () -> ()
      %add3A_105 = arith.constant 524288 : i32
      %add3A_106 = arith.addi %add3A_102, %add3A_105 : i32
      "tpu.region"() ({
        %run_scoped3A = tpu.sem_alloc : memref<!tpu.dma_semaphore, #tpu.memory_space<semaphore_mem>>
        %dma_start3A = tpu.memref_slice %arg2[%add3A_106] : memref<3145728xf32, #tpu.memory_space<hbm>> -> memref<4096xf32, #tpu.memory_space<hbm>>
        %dma_start3A_122 = tpu.memref_slice %arg2[%add3A_106] : memref<3145728xf32, #tpu.memory_space<hbm>> -> memref<4096xf32, #tpu.memory_space<hbm>>
        tpu.enqueue_dma source(%dma_start3A_122 : memref<4096xf32, #tpu.memory_space<hbm>>) target(%arg9 : memref<4096xf32, #tpu.memory_space<vmem>>) target_semaphore(%run_scoped3A : memref<!tpu.dma_semaphore, #tpu.memory_space<semaphore_mem>>)
        %dma_wait3A = tpu.memref_slice %arg2[%add3A_106] : memref<3145728xf32, #tpu.memory_space<hbm>> -> memref<4096xf32, #tpu.memory_space<hbm>>
        %dma_wait3A_123 = tpu.memref_slice %arg2[%add3A_106] : memref<3145728xf32, #tpu.memory_space<hbm>> -> memref<4096xf32, #tpu.memory_space<hbm>>
        tpu.wait_dma2 semaphore(%run_scoped3A : memref<!tpu.dma_semaphore, #tpu.memory_space<semaphore_mem>>) src(%dma_wait3A_123 : memref<4096xf32, #tpu.memory_space<hbm>>) dst(%arg9 : memref<4096xf32, #tpu.memory_space<vmem>>)
        tpu.yield
      }) : () -> ()
      %mul3A_107 = arith.constant 262144 : i32
      %mul3A_108 = arith.muli %add3A, %mul3A_107 : i32
      %add3A_109 = arith.addi %mul3A_108, %add3A_97 : i32
      "tpu.region"() ({
        %run_scoped3A = tpu.sem_alloc : memref<!tpu.dma_semaphore, #tpu.memory_space<semaphore_mem>>
        %dma_start3A = tpu.memref_slice %arg3[%add3A_109] : memref<1048576xf32, #tpu.memory_space<hbm>> -> memref<4096xf32, #tpu.memory_space<hbm>>
        %dma_start3A_122 = tpu.memref_slice %arg3[%add3A_109] : memref<1048576xf32, #tpu.memory_space<hbm>> -> memref<4096xf32, #tpu.memory_space<hbm>>
        tpu.enqueue_dma source(%dma_start3A_122 : memref<4096xf32, #tpu.memory_space<hbm>>) target(%arg10 : memref<4096xf32, #tpu.memory_space<vmem>>) target_semaphore(%run_scoped3A : memref<!tpu.dma_semaphore, #tpu.memory_space<semaphore_mem>>)
        %dma_wait3A = tpu.memref_slice %arg3[%add3A_109] : memref<1048576xf32, #tpu.memory_space<hbm>> -> memref<4096xf32, #tpu.memory_space<hbm>>
        %dma_wait3A_123 = tpu.memref_slice %arg3[%add3A_109] : memref<1048576xf32, #tpu.memory_space<hbm>> -> memref<4096xf32, #tpu.memory_space<hbm>>
        tpu.wait_dma2 semaphore(%run_scoped3A : memref<!tpu.dma_semaphore, #tpu.memory_space<semaphore_mem>>) src(%dma_wait3A_123 : memref<4096xf32, #tpu.memory_space<hbm>>) dst(%arg10 : memref<4096xf32, #tpu.memory_space<vmem>>)
        tpu.yield
      }) : () -> ()
      %mul3A_110 = arith.constant 3 : i32
      %mul3A_111 = arith.muli %add3A, %mul3A_110 : i32
      %add3A_112 = arith.addi %mul3A_111, %max3A_73 : i32
      %mul3A_113 = arith.constant 262144 : i32
      %mul3A_114 = arith.muli %add3A_112, %mul3A_113 : i32
      %add3A_115 = arith.addi %mul3A_114, %add3A_97 : i32
      "tpu.region"() ({
        %run_scoped3A = tpu.sem_alloc : memref<!tpu.dma_semaphore, #tpu.memory_space<semaphore_mem>>
        %dma_start3A = tpu.memref_slice %arg4[%add3A_115] : memref<3145728xf32, #tpu.memory_space<hbm>> -> memref<4096xf32, #tpu.memory_space<hbm>>
        %dma_start3A_122 = tpu.memref_slice %arg4[%add3A_115] : memref<3145728xf32, #tpu.memory_space<hbm>> -> memref<4096xf32, #tpu.memory_space<hbm>>
        tpu.enqueue_dma source(%dma_start3A_122 : memref<4096xf32, #tpu.memory_space<hbm>>) target(%arg11 : memref<4096xf32, #tpu.memory_space<vmem>>) target_semaphore(%run_scoped3A : memref<!tpu.dma_semaphore, #tpu.memory_space<semaphore_mem>>)
        %dma_wait3A = tpu.memref_slice %arg4[%add3A_115] : memref<3145728xf32, #tpu.memory_space<hbm>> -> memref<4096xf32, #tpu.memory_space<hbm>>
        %dma_wait3A_123 = tpu.memref_slice %arg4[%add3A_115] : memref<3145728xf32, #tpu.memory_space<hbm>> -> memref<4096xf32, #tpu.memory_space<hbm>>
        tpu.wait_dma2 semaphore(%run_scoped3A : memref<!tpu.dma_semaphore, #tpu.memory_space<semaphore_mem>>) src(%dma_wait3A_123 : memref<4096xf32, #tpu.memory_space<hbm>>) dst(%arg11 : memref<4096xf32, #tpu.memory_space<vmem>>)
        tpu.yield
      }) : () -> ()
      %scan3A_116 = arith.constant 0 : i32
      %scan3A_117 = arith.constant 0 : i32
      %scan3A_118 = arith.constant 256 : i32
      %scan3A_119 = arith.addi %scan3A_117, %scan3A_118 : i32
      %scan3A_120 = arith.constant 1 : i32
      scf.for %scan3A_122 = %scan3A_117 to %scan3A_119 step %scan3A_120  : i32 {
        %mul3A_123 = arith.constant 16 : i32
        %mul3A_124 = arith.muli %scan3A_122, %mul3A_123 : i32
        %get3A = arith.index_cast %mul3A_124 : i32 to index
        %get3A_125 = tpu.vector_load %arg7[%get3A] {strides = array<i32>} : memref<4096xf32, #tpu.memory_space<vmem>>, vector<16xf32>,
        %get3A_126 = arith.index_cast %mul3A_124 : i32 to index
        %get3A_127 = tpu.vector_load %arg8[%get3A_126] {strides = array<i32>} : memref<4096xf32, #tpu.memory_space<vmem>>, vector<16xf32>,
        %get3A_128 = arith.index_cast %mul3A_124 : i32 to index
        %get3A_129 = tpu.vector_load %arg9[%get3A_128] {strides = array<i32>} : memref<4096xf32, #tpu.memory_space<vmem>>, vector<16xf32>,
        %get3A_130 = arith.index_cast %mul3A_124 : i32 to index
        %get3A_131 = tpu.vector_load %arg10[%get3A_130] {strides = array<i32>} : memref<4096xf32, #tpu.memory_space<vmem>>, vector<16xf32>,
        %get3A_132 = arith.index_cast %mul3A_124 : i32 to index
        %get3A_133 = tpu.vector_load %arg11[%get3A_132] {strides = array<i32>} : memref<4096xf32, #tpu.memory_space<vmem>>, vector<16xf32>,
        %mul3A_134 = arith.constant 31.9999676 : f32
        %mul3A_135 = vector.broadcast %mul3A_134 : f32 to vector<16xf32>
        %mul3A_136 = arith.mulf %get3A_125, %mul3A_135 : vector<16xf32>
        %mul3A_137 = arith.constant 31.9999676 : f32
        %mul3A_138 = vector.broadcast %mul3A_137 : f32 to vector<16xf32>
        %mul3A_139 = arith.mulf %get3A_127, %mul3A_138 : vector<16xf32>
        %mul3A_140 = arith.constant 31.9999676 : f32
        %mul3A_141 = vector.broadcast %mul3A_140 : f32 to vector<16xf32>
        %mul3A_142 = arith.mulf %get3A_129, %mul3A_141 : vector<16xf32>
        %convert_element_type3A = arith.fptosi %mul3A_136 : vector<16xf32> to vector<16xi32>
        %convert_element_type3A_143 = arith.fptosi %mul3A_139 : vector<16xf32> to vector<16xi32>
        %convert_element_type3A_144 = arith.fptosi %mul3A_142 : vector<16xf32> to vector<16xi32>
        %convert_element_type3A_145 = arith.sitofp %convert_element_type3A : vector<16xi32> to vector<16xf32>
        %convert_element_type3A_146 = arith.sitofp %convert_element_type3A_143 : vector<16xi32> to vector<16xf32>
        %convert_element_type3A_147 = arith.sitofp %convert_element_type3A_144 : vector<16xi32> to vector<16xf32>
        %sub3A_148 = arith.subf %mul3A_136, %convert_element_type3A_145 : vector<16xf32>
        %sub3A_149 = arith.subf %mul3A_139, %convert_element_type3A_146 : vector<16xf32>
        %sub3A_150 = arith.subf %mul3A_142, %convert_element_type3A_147 : vector<16xf32>
        %mul3A_151 = arith.mulf %get3A_131, %get3A_133 : vector<16xf32>
        %select_n3A_152 = arith.select %broadcast_in_dim3A, %get3A_131, %mul3A_151 : vector<16xi1>, vector<16xf32>
        %mul3A_153 = arith.mulf %sub3A_148, %select_n3A_152 : vector<16xf32>
        %sub3A_154 = arith.subf %select_n3A_152, %mul3A_153 : vector<16xf32>
        %sub3A_155 = arith.constant 1.000000e+00 : f32
        %sub3A_156 = vector.broadcast %sub3A_155 : f32 to vector<16xf32>
        %sub3A_157 = arith.subf %sub3A_156, %sub3A_149 : vector<16xf32>
        %sub3A_158 = arith.constant 1.000000e+00 : f32
        %sub3A_159 = vector.broadcast %sub3A_158 : f32 to vector<16xf32>
        %sub3A_160 = arith.subf %sub3A_159, %sub3A_150 : vector<16xf32>
        %mul3A_161 = arith.mulf %sub3A_154, %sub3A_157 : vector<16xf32>
        %mul3A_162 = arith.mulf %sub3A_154, %sub3A_149 : vector<16xf32>
        %mul3A_163 = arith.mulf %mul3A_153, %sub3A_157 : vector<16xf32>
        %mul3A_164 = arith.mulf %mul3A_153, %sub3A_149 : vector<16xf32>
        %mul3A_165 = arith.constant 1089 : i32
        %mul3A_166 = vector.broadcast %mul3A_165 : i32 to vector<16xi32>
        %mul3A_167 = arith.muli %convert_element_type3A, %mul3A_166 : vector<16xi32>
        %mul3A_168 = arith.constant 33 : i32
        %mul3A_169 = vector.broadcast %mul3A_168 : i32 to vector<16xi32>
        %mul3A_170 = arith.muli %convert_element_type3A_143, %mul3A_169 : vector<16xi32>
        %add3A_171 = arith.addi %mul3A_167, %mul3A_170 : vector<16xi32>
        %add3A_172 = arith.addi %add3A_171, %convert_element_type3A_144 : vector<16xi32>
        %mul3A_173 = arith.mulf %mul3A_161, %sub3A_160 : vector<16xf32>
        %add3A_174 = arith.constant 0 : i32
        %add3A_175 = vector.broadcast %add3A_174 : i32 to vector<16xi32>
        %add3A_176 = arith.addi %add3A_172, %add3A_175 : vector<16xi32>
        tpu.vector_store_idx %arg6[%add3A_176], %mul3A_173 {add = true} : memref<35952xf32, #tpu.memory_space<vmem>>[vector<16xi32>], vector<16xf32>,
        %mul3A_177 = arith.mulf %mul3A_161, %sub3A_150 : vector<16xf32>
        %add3A_178 = arith.constant 1 : i32
        %add3A_179 = vector.broadcast %add3A_178 : i32 to vector<16xi32>
        %add3A_180 = arith.addi %add3A_172, %add3A_179 : vector<16xi32>
        tpu.vector_store_idx %arg6[%add3A_180], %mul3A_177 {add = true} : memref<35952xf32, #tpu.memory_space<vmem>>[vector<16xi32>], vector<16xf32>,
        %mul3A_181 = arith.mulf %mul3A_162, %sub3A_160 : vector<16xf32>
        %add3A_182 = arith.constant 33 : i32
        %add3A_183 = vector.broadcast %add3A_182 : i32 to vector<16xi32>
        %add3A_184 = arith.addi %add3A_172, %add3A_183 : vector<16xi32>
        tpu.vector_store_idx %arg6[%add3A_184], %mul3A_181 {add = true} : memref<35952xf32, #tpu.memory_space<vmem>>[vector<16xi32>], vector<16xf32>,
        %mul3A_185 = arith.mulf %mul3A_162, %sub3A_150 : vector<16xf32>
        %add3A_186 = arith.constant 34 : i32
        %add3A_187 = vector.broadcast %add3A_186 : i32 to vector<16xi32>
        %add3A_188 = arith.addi %add3A_172, %add3A_187 : vector<16xi32>
        tpu.vector_store_idx %arg6[%add3A_188], %mul3A_185 {add = true} : memref<35952xf32, #tpu.memory_space<vmem>>[vector<16xi32>], vector<16xf32>,
        %mul3A_189 = arith.mulf %mul3A_163, %sub3A_160 : vector<16xf32>
        %add3A_190 = arith.constant 1089 : i32
        %add3A_191 = vector.broadcast %add3A_190 : i32 to vector<16xi32>
        %add3A_192 = arith.addi %add3A_172, %add3A_191 : vector<16xi32>
        tpu.vector_store_idx %arg6[%add3A_192], %mul3A_189 {add = true} : memref<35952xf32, #tpu.memory_space<vmem>>[vector<16xi32>], vector<16xf32>,
        %mul3A_193 = arith.mulf %mul3A_163, %sub3A_150 : vector<16xf32>
        %add3A_194 = arith.constant 1090 : i32
        %add3A_195 = vector.broadcast %add3A_194 : i32 to vector<16xi32>
        %add3A_196 = arith.addi %add3A_172, %add3A_195 : vector<16xi32>
        tpu.vector_store_idx %arg6[%add3A_196], %mul3A_193 {add = true} : memref<35952xf32, #tpu.memory_space<vmem>>[vector<16xi32>], vector<16xf32>,
        %mul3A_197 = arith.mulf %mul3A_164, %sub3A_160 : vector<16xf32>
        %add3A_198 = arith.constant 1122 : i32
        %add3A_199 = vector.broadcast %add3A_198 : i32 to vector<16xi32>
        %add3A_200 = arith.addi %add3A_172, %add3A_199 : vector<16xi32>
        tpu.vector_store_idx %arg6[%add3A_200], %mul3A_197 {add = true} : memref<35952xf32, #tpu.memory_space<vmem>>[vector<16xi32>], vector<16xf32>,
        %mul3A_201 = arith.mulf %mul3A_164, %sub3A_150 : vector<16xf32>
        %add3A_202 = arith.constant 1123 : i32
        %add3A_203 = vector.broadcast %add3A_202 : i32 to vector<16xi32>
        %add3A_204 = arith.addi %add3A_172, %add3A_203 : vector<16xi32>
        tpu.vector_store_idx %arg6[%add3A_204], %mul3A_201 {add = true} : memref<35952xf32, #tpu.memory_space<vmem>>[vector<16xi32>], vector<16xf32>,
      }
      %scan3A_121 = arith.constant 256 : i32
    }
    %scan3A_90 = arith.constant 32 : i32
    %mul3A_91 = arith.constant 16 : i32
    %mul3A_92 = arith.muli %arg0, %mul3A_91 : i32
    %add3A_93 = arith.addi %mul3A_92, %arg1 : i32
    "tpu.region"() ({
      %run_scoped3A = tpu.sem_alloc : memref<!tpu.dma_semaphore, #tpu.memory_space<semaphore_mem>>
      %dma_start3A = arith.constant 0 : i32
      %dma_start3A_94 = tpu.memref_slice %arg5[%add3A_93, %dma_start3A] : memref<32x35952xf32, #tpu.memory_space<hbm>> -> memref<1x35952xf32, #tpu.memory_space<hbm>>
      %dma_start3A_95 = tpu.memref_squeeze %dma_start3A_94 : memref<1x35952xf32, #tpu.memory_space<hbm>> -> memref<35952xf32, #tpu.memory_space<hbm>>
      %dma_start3A_96 = arith.constant 0 : i32
      %dma_start3A_97 = tpu.memref_slice %arg5[%add3A_93, %dma_start3A_96] : memref<32x35952xf32, #tpu.memory_space<hbm>> -> memref<1x35952xf32, #tpu.memory_space<hbm>>
      %dma_start3A_98 = tpu.memref_squeeze %dma_start3A_97 : memref<1x35952xf32, #tpu.memory_space<hbm>> -> memref<35952xf32, #tpu.memory_space<hbm>>
      tpu.enqueue_dma source(%arg6 : memref<35952xf32, #tpu.memory_space<vmem>>) target(%dma_start3A_98 : memref<35952xf32, #tpu.memory_space<hbm>>) target_semaphore(%run_scoped3A : memref<!tpu.dma_semaphore, #tpu.memory_space<semaphore_mem>>)
      %dma_wait3A = arith.constant 0 : i32
      %dma_wait3A_99 = tpu.memref_slice %arg5[%add3A_93, %dma_wait3A] : memref<32x35952xf32, #tpu.memory_space<hbm>> -> memref<1x35952xf32, #tpu.memory_space<hbm>>
      %dma_wait3A_100 = tpu.memref_squeeze %dma_wait3A_99 : memref<1x35952xf32, #tpu.memory_space<hbm>> -> memref<35952xf32, #tpu.memory_space<hbm>>
      %dma_wait3A_101 = arith.constant 0 : i32
      %dma_wait3A_102 = tpu.memref_slice %arg5[%add3A_93, %dma_wait3A_101] : memref<32x35952xf32, #tpu.memory_space<hbm>> -> memref<1x35952xf32, #tpu.memory_space<hbm>>
      %dma_wait3A_103 = tpu.memref_squeeze %dma_wait3A_102 : memref<1x35952xf32, #tpu.memory_space<hbm>> -> memref<35952xf32, #tpu.memory_space<hbm>>
      tpu.wait_dma2 semaphore(%run_scoped3A : memref<!tpu.dma_semaphore, #tpu.memory_space<semaphore_mem>>) src(%arg6 : memref<35952xf32, #tpu.memory_space<vmem>>) dst(%dma_wait3A_103 : memref<35952xf32, #tpu.memory_space<hbm>>)
      tpu.yield
    }) : () -> ()
    return
  }
}

module attributes {stable_mosaic.version = 14 : i64} {
  func.func @_epi_body(%arg0: memref<32x35952xf32, #tpu.memory_space<vmem>>, %arg1: memref<12x35952xf32, #tpu.memory_space<vmem>>, %arg2: memref<12x35952xf32, #tpu.memory_space<vmem>>) attributes {dimension_semantics = [], scalar_prefetch = 0 : i64, scratch_operands = 0 : i64, tpu.core_type = #tpu.core_type<tc>} {
    %get3A = arith.constant 0 : index
    %get3A_0 = arith.constant 0 : index
    %get3A_1 = vector.load %arg0[%get3A, %get3A_0] : memref<32x35952xf32, #tpu.memory_space<vmem>>, vector<1x35952xf32>
    %get3A_2 = vector.shape_cast %get3A_1 : vector<1x35952xf32> to vector<35952xf32>
    %get3A_3 = arith.constant 1 : index
    %get3A_4 = arith.constant 0 : index
    %get3A_5 = vector.load %arg0[%get3A_3, %get3A_4] : memref<32x35952xf32, #tpu.memory_space<vmem>>, vector<1x35952xf32>
    %get3A_6 = vector.shape_cast %get3A_5 : vector<1x35952xf32> to vector<35952xf32>
    %add3A = arith.addf %get3A_2, %get3A_6 : vector<35952xf32>
    %gt3A = arith.constant 0.000000e+00 : f32
    %gt3A_7 = vector.broadcast %gt3A : f32 to vector<35952xf32>
    %gt3A_8 = arith.cmpf ogt, %add3A, %gt3A_7 : vector<35952xf32>
    %jit3A = arith.constant 1.000000e+00 : f32
    %broadcast_in_dim3A = vector.broadcast %jit3A : f32 to vector<35952xf32>
    %select_n3A = arith.select %gt3A_8, %add3A, %broadcast_in_dim3A : vector<35952xi1>, vector<35952xf32>
    %get3A_9 = arith.constant 2 : index
    %get3A_10 = arith.constant 0 : index
    %get3A_11 = vector.load %arg0[%get3A_9, %get3A_10] : memref<32x35952xf32, #tpu.memory_space<vmem>>, vector<1x35952xf32>
    %get3A_12 = vector.shape_cast %get3A_11 : vector<1x35952xf32> to vector<35952xf32>
    %get3A_13 = arith.constant 3 : index
    %get3A_14 = arith.constant 0 : index
    %get3A_15 = vector.load %arg0[%get3A_13, %get3A_14] : memref<32x35952xf32, #tpu.memory_space<vmem>>, vector<1x35952xf32>
    %get3A_16 = vector.shape_cast %get3A_15 : vector<1x35952xf32> to vector<35952xf32>
    %add3A_17 = arith.addf %get3A_12, %get3A_16 : vector<35952xf32>
    %div3A = arith.divf %add3A_17, %select_n3A : vector<35952xf32>
    %jit3A_18 = arith.constant 0.000000e+00 : f32
    %broadcast_in_dim3A_19 = vector.broadcast %jit3A_18 : f32 to vector<35952xf32>
    %select_n3A_20 = arith.select %gt3A_8, %div3A, %broadcast_in_dim3A_19 : vector<35952xi1>, vector<35952xf32>
    %swap3A = arith.constant 0 : index
    %swap3A_21 = arith.constant 0 : index
    %swap3A_22 = vector.load %arg1[%swap3A, %swap3A_21] : memref<12x35952xf32, #tpu.memory_space<vmem>>, vector<1x35952xf32>
    %swap3A_23 = vector.shape_cast %swap3A_22 : vector<1x35952xf32> to vector<35952xf32>
    %swap3A_24 = vector.shape_cast %select_n3A_20 : vector<35952xf32> to vector<1x35952xf32>
    tpu.vector_store %arg1[%swap3A, %swap3A_21], %swap3A_24 {strides = array<i32>} : memref<12x35952xf32, #tpu.memory_space<vmem>>, vector<1x35952xf32>,
    %swap3A_25 = arith.constant 0 : index
    %swap3A_26 = arith.constant 0 : index
    %swap3A_27 = vector.load %arg2[%swap3A_25, %swap3A_26] : memref<12x35952xf32, #tpu.memory_space<vmem>>, vector<1x35952xf32>
    %swap3A_28 = vector.shape_cast %swap3A_27 : vector<1x35952xf32> to vector<35952xf32>
    %swap3A_29 = vector.shape_cast %add3A : vector<35952xf32> to vector<1x35952xf32>
    tpu.vector_store %arg2[%swap3A_25, %swap3A_26], %swap3A_29 {strides = array<i32>} : memref<12x35952xf32, #tpu.memory_space<vmem>>, vector<1x35952xf32>,
    %get3A_30 = arith.constant 4 : index
    %get3A_31 = arith.constant 0 : index
    %get3A_32 = vector.load %arg0[%get3A_30, %get3A_31] : memref<32x35952xf32, #tpu.memory_space<vmem>>, vector<1x35952xf32>
    %get3A_33 = vector.shape_cast %get3A_32 : vector<1x35952xf32> to vector<35952xf32>
    %get3A_34 = arith.constant 5 : index
    %get3A_35 = arith.constant 0 : index
    %get3A_36 = vector.load %arg0[%get3A_34, %get3A_35] : memref<32x35952xf32, #tpu.memory_space<vmem>>, vector<1x35952xf32>
    %get3A_37 = vector.shape_cast %get3A_36 : vector<1x35952xf32> to vector<35952xf32>
    %add3A_38 = arith.addf %get3A_33, %get3A_37 : vector<35952xf32>
    %div3A_39 = arith.divf %add3A_38, %select_n3A : vector<35952xf32>
    %jit3A_40 = arith.constant 0.000000e+00 : f32
    %broadcast_in_dim3A_41 = vector.broadcast %jit3A_40 : f32 to vector<35952xf32>
    %select_n3A_42 = arith.select %gt3A_8, %div3A_39, %broadcast_in_dim3A_41 : vector<35952xi1>, vector<35952xf32>
    %swap3A_43 = arith.constant 1 : index
    %swap3A_44 = arith.constant 0 : index
    %swap3A_45 = vector.load %arg1[%swap3A_43, %swap3A_44] : memref<12x35952xf32, #tpu.memory_space<vmem>>, vector<1x35952xf32>
    %swap3A_46 = vector.shape_cast %swap3A_45 : vector<1x35952xf32> to vector<35952xf32>
    %swap3A_47 = vector.shape_cast %select_n3A_42 : vector<35952xf32> to vector<1x35952xf32>
    tpu.vector_store %arg1[%swap3A_43, %swap3A_44], %swap3A_47 {strides = array<i32>} : memref<12x35952xf32, #tpu.memory_space<vmem>>, vector<1x35952xf32>,
    %swap3A_48 = arith.constant 1 : index
    %swap3A_49 = arith.constant 0 : index
    %swap3A_50 = vector.load %arg2[%swap3A_48, %swap3A_49] : memref<12x35952xf32, #tpu.memory_space<vmem>>, vector<1x35952xf32>
    %swap3A_51 = vector.shape_cast %swap3A_50 : vector<1x35952xf32> to vector<35952xf32>
    %swap3A_52 = vector.shape_cast %add3A : vector<35952xf32> to vector<1x35952xf32>
    tpu.vector_store %arg2[%swap3A_48, %swap3A_49], %swap3A_52 {strides = array<i32>} : memref<12x35952xf32, #tpu.memory_space<vmem>>, vector<1x35952xf32>,
    %get3A_53 = arith.constant 6 : index
    %get3A_54 = arith.constant 0 : index
    %get3A_55 = vector.load %arg0[%get3A_53, %get3A_54] : memref<32x35952xf32, #tpu.memory_space<vmem>>, vector<1x35952xf32>
    %get3A_56 = vector.shape_cast %get3A_55 : vector<1x35952xf32> to vector<35952xf32>
    %get3A_57 = arith.constant 7 : index
    %get3A_58 = arith.constant 0 : index
    %get3A_59 = vector.load %arg0[%get3A_57, %get3A_58] : memref<32x35952xf32, #tpu.memory_space<vmem>>, vector<1x35952xf32>
    %get3A_60 = vector.shape_cast %get3A_59 : vector<1x35952xf32> to vector<35952xf32>
    %add3A_61 = arith.addf %get3A_56, %get3A_60 : vector<35952xf32>
    %div3A_62 = arith.divf %add3A_61, %select_n3A : vector<35952xf32>
    %jit3A_63 = arith.constant 0.000000e+00 : f32
    %broadcast_in_dim3A_64 = vector.broadcast %jit3A_63 : f32 to vector<35952xf32>
    %select_n3A_65 = arith.select %gt3A_8, %div3A_62, %broadcast_in_dim3A_64 : vector<35952xi1>, vector<35952xf32>
    %swap3A_66 = arith.constant 2 : index
    %swap3A_67 = arith.constant 0 : index
    %swap3A_68 = vector.load %arg1[%swap3A_66, %swap3A_67] : memref<12x35952xf32, #tpu.memory_space<vmem>>, vector<1x35952xf32>
    %swap3A_69 = vector.shape_cast %swap3A_68 : vector<1x35952xf32> to vector<35952xf32>
    %swap3A_70 = vector.shape_cast %select_n3A_65 : vector<35952xf32> to vector<1x35952xf32>
    tpu.vector_store %arg1[%swap3A_66, %swap3A_67], %swap3A_70 {strides = array<i32>} : memref<12x35952xf32, #tpu.memory_space<vmem>>, vector<1x35952xf32>,
    %swap3A_71 = arith.constant 2 : index
    %swap3A_72 = arith.constant 0 : index
    %swap3A_73 = vector.load %arg2[%swap3A_71, %swap3A_72] : memref<12x35952xf32, #tpu.memory_space<vmem>>, vector<1x35952xf32>
    %swap3A_74 = vector.shape_cast %swap3A_73 : vector<1x35952xf32> to vector<35952xf32>
    %swap3A_75 = vector.shape_cast %add3A : vector<35952xf32> to vector<1x35952xf32>
    tpu.vector_store %arg2[%swap3A_71, %swap3A_72], %swap3A_75 {strides = array<i32>} : memref<12x35952xf32, #tpu.memory_space<vmem>>, vector<1x35952xf32>,
    %get3A_76 = arith.constant 8 : index
    %get3A_77 = arith.constant 0 : index
    %get3A_78 = vector.load %arg0[%get3A_76, %get3A_77] : memref<32x35952xf32, #tpu.memory_space<vmem>>, vector<1x35952xf32>
    %get3A_79 = vector.shape_cast %get3A_78 : vector<1x35952xf32> to vector<35952xf32>
    %get3A_80 = arith.constant 9 : index
    %get3A_81 = arith.constant 0 : index
    %get3A_82 = vector.load %arg0[%get3A_80, %get3A_81] : memref<32x35952xf32, #tpu.memory_space<vmem>>, vector<1x35952xf32>
    %get3A_83 = vector.shape_cast %get3A_82 : vector<1x35952xf32> to vector<35952xf32>
    %add3A_84 = arith.addf %get3A_79, %get3A_83 : vector<35952xf32>
    %gt3A_85 = arith.constant 0.000000e+00 : f32
    %gt3A_86 = vector.broadcast %gt3A_85 : f32 to vector<35952xf32>
    %gt3A_87 = arith.cmpf ogt, %add3A_84, %gt3A_86 : vector<35952xf32>
    %jit3A_88 = arith.constant 1.000000e+00 : f32
    %broadcast_in_dim3A_89 = vector.broadcast %jit3A_88 : f32 to vector<35952xf32>
    %select_n3A_90 = arith.select %gt3A_87, %add3A_84, %broadcast_in_dim3A_89 : vector<35952xi1>, vector<35952xf32>
    %get3A_91 = arith.constant 10 : index
    %get3A_92 = arith.constant 0 : index
    %get3A_93 = vector.load %arg0[%get3A_91, %get3A_92] : memref<32x35952xf32, #tpu.memory_space<vmem>>, vector<1x35952xf32>
    %get3A_94 = vector.shape_cast %get3A_93 : vector<1x35952xf32> to vector<35952xf32>
    %get3A_95 = arith.constant 11 : index
    %get3A_96 = arith.constant 0 : index
    %get3A_97 = vector.load %arg0[%get3A_95, %get3A_96] : memref<32x35952xf32, #tpu.memory_space<vmem>>, vector<1x35952xf32>
    %get3A_98 = vector.shape_cast %get3A_97 : vector<1x35952xf32> to vector<35952xf32>
    %add3A_99 = arith.addf %get3A_94, %get3A_98 : vector<35952xf32>
    %div3A_100 = arith.divf %add3A_99, %select_n3A_90 : vector<35952xf32>
    %jit3A_101 = arith.constant 0.000000e+00 : f32
    %broadcast_in_dim3A_102 = vector.broadcast %jit3A_101 : f32 to vector<35952xf32>
    %select_n3A_103 = arith.select %gt3A_87, %div3A_100, %broadcast_in_dim3A_102 : vector<35952xi1>, vector<35952xf32>
    %swap3A_104 = arith.constant 3 : index
    %swap3A_105 = arith.constant 0 : index
    %swap3A_106 = vector.load %arg1[%swap3A_104, %swap3A_105] : memref<12x35952xf32, #tpu.memory_space<vmem>>, vector<1x35952xf32>
    %swap3A_107 = vector.shape_cast %swap3A_106 : vector<1x35952xf32> to vector<35952xf32>
    %swap3A_108 = vector.shape_cast %select_n3A_103 : vector<35952xf32> to vector<1x35952xf32>
    tpu.vector_store %arg1[%swap3A_104, %swap3A_105], %swap3A_108 {strides = array<i32>} : memref<12x35952xf32, #tpu.memory_space<vmem>>, vector<1x35952xf32>,
    %swap3A_109 = arith.constant 3 : index
    %swap3A_110 = arith.constant 0 : index
    %swap3A_111 = vector.load %arg2[%swap3A_109, %swap3A_110] : memref<12x35952xf32, #tpu.memory_space<vmem>>, vector<1x35952xf32>
    %swap3A_112 = vector.shape_cast %swap3A_111 : vector<1x35952xf32> to vector<35952xf32>
    %swap3A_113 = vector.shape_cast %add3A_84 : vector<35952xf32> to vector<1x35952xf32>
    tpu.vector_store %arg2[%swap3A_109, %swap3A_110], %swap3A_113 {strides = array<i32>} : memref<12x35952xf32, #tpu.memory_space<vmem>>, vector<1x35952xf32>,
    %get3A_114 = arith.constant 12 : index
    %get3A_115 = arith.constant 0 : index
    %get3A_116 = vector.load %arg0[%get3A_114, %get3A_115] : memref<32x35952xf32, #tpu.memory_space<vmem>>, vector<1x35952xf32>
    %get3A_117 = vector.shape_cast %get3A_116 : vector<1x35952xf32> to vector<35952xf32>
    %get3A_118 = arith.constant 13 : index
    %get3A_119 = arith.constant 0 : index
    %get3A_120 = vector.load %arg0[%get3A_118, %get3A_119] : memref<32x35952xf32, #tpu.memory_space<vmem>>, vector<1x35952xf32>
    %get3A_121 = vector.shape_cast %get3A_120 : vector<1x35952xf32> to vector<35952xf32>
    %add3A_122 = arith.addf %get3A_117, %get3A_121 : vector<35952xf32>
    %div3A_123 = arith.divf %add3A_122, %select_n3A_90 : vector<35952xf32>
    %jit3A_124 = arith.constant 0.000000e+00 : f32
    %broadcast_in_dim3A_125 = vector.broadcast %jit3A_124 : f32 to vector<35952xf32>
    %select_n3A_126 = arith.select %gt3A_87, %div3A_123, %broadcast_in_dim3A_125 : vector<35952xi1>, vector<35952xf32>
    %swap3A_127 = arith.constant 4 : index
    %swap3A_128 = arith.constant 0 : index
    %swap3A_129 = vector.load %arg1[%swap3A_127, %swap3A_128] : memref<12x35952xf32, #tpu.memory_space<vmem>>, vector<1x35952xf32>
    %swap3A_130 = vector.shape_cast %swap3A_129 : vector<1x35952xf32> to vector<35952xf32>
    %swap3A_131 = vector.shape_cast %select_n3A_126 : vector<35952xf32> to vector<1x35952xf32>
    tpu.vector_store %arg1[%swap3A_127, %swap3A_128], %swap3A_131 {strides = array<i32>} : memref<12x35952xf32, #tpu.memory_space<vmem>>, vector<1x35952xf32>,
    %swap3A_132 = arith.constant 4 : index
    %swap3A_133 = arith.constant 0 : index
    %swap3A_134 = vector.load %arg2[%swap3A_132, %swap3A_133] : memref<12x35952xf32, #tpu.memory_space<vmem>>, vector<1x35952xf32>
    %swap3A_135 = vector.shape_cast %swap3A_134 : vector<1x35952xf32> to vector<35952xf32>
    %swap3A_136 = vector.shape_cast %add3A_84 : vector<35952xf32> to vector<1x35952xf32>
    tpu.vector_store %arg2[%swap3A_132, %swap3A_133], %swap3A_136 {strides = array<i32>} : memref<12x35952xf32, #tpu.memory_space<vmem>>, vector<1x35952xf32>,
    %get3A_137 = arith.constant 14 : index
    %get3A_138 = arith.constant 0 : index
    %get3A_139 = vector.load %arg0[%get3A_137, %get3A_138] : memref<32x35952xf32, #tpu.memory_space<vmem>>, vector<1x35952xf32>
    %get3A_140 = vector.shape_cast %get3A_139 : vector<1x35952xf32> to vector<35952xf32>
    %get3A_141 = arith.constant 15 : index
    %get3A_142 = arith.constant 0 : index
    %get3A_143 = vector.load %arg0[%get3A_141, %get3A_142] : memref<32x35952xf32, #tpu.memory_space<vmem>>, vector<1x35952xf32>
    %get3A_144 = vector.shape_cast %get3A_143 : vector<1x35952xf32> to vector<35952xf32>
    %add3A_145 = arith.addf %get3A_140, %get3A_144 : vector<35952xf32>
    %div3A_146 = arith.divf %add3A_145, %select_n3A_90 : vector<35952xf32>
    %jit3A_147 = arith.constant 0.000000e+00 : f32
    %broadcast_in_dim3A_148 = vector.broadcast %jit3A_147 : f32 to vector<35952xf32>
    %select_n3A_149 = arith.select %gt3A_87, %div3A_146, %broadcast_in_dim3A_148 : vector<35952xi1>, vector<35952xf32>
    %swap3A_150 = arith.constant 5 : index
    %swap3A_151 = arith.constant 0 : index
    %swap3A_152 = vector.load %arg1[%swap3A_150, %swap3A_151] : memref<12x35952xf32, #tpu.memory_space<vmem>>, vector<1x35952xf32>
    %swap3A_153 = vector.shape_cast %swap3A_152 : vector<1x35952xf32> to vector<35952xf32>
    %swap3A_154 = vector.shape_cast %select_n3A_149 : vector<35952xf32> to vector<1x35952xf32>
    tpu.vector_store %arg1[%swap3A_150, %swap3A_151], %swap3A_154 {strides = array<i32>} : memref<12x35952xf32, #tpu.memory_space<vmem>>, vector<1x35952xf32>,
    %swap3A_155 = arith.constant 5 : index
    %swap3A_156 = arith.constant 0 : index
    %swap3A_157 = vector.load %arg2[%swap3A_155, %swap3A_156] : memref<12x35952xf32, #tpu.memory_space<vmem>>, vector<1x35952xf32>
    %swap3A_158 = vector.shape_cast %swap3A_157 : vector<1x35952xf32> to vector<35952xf32>
    %swap3A_159 = vector.shape_cast %add3A_84 : vector<35952xf32> to vector<1x35952xf32>
    tpu.vector_store %arg2[%swap3A_155, %swap3A_156], %swap3A_159 {strides = array<i32>} : memref<12x35952xf32, #tpu.memory_space<vmem>>, vector<1x35952xf32>,
    %get3A_160 = arith.constant 16 : index
    %get3A_161 = arith.constant 0 : index
    %get3A_162 = vector.load %arg0[%get3A_160, %get3A_161] : memref<32x35952xf32, #tpu.memory_space<vmem>>, vector<1x35952xf32>
    %get3A_163 = vector.shape_cast %get3A_162 : vector<1x35952xf32> to vector<35952xf32>
    %get3A_164 = arith.constant 17 : index
    %get3A_165 = arith.constant 0 : index
    %get3A_166 = vector.load %arg0[%get3A_164, %get3A_165] : memref<32x35952xf32, #tpu.memory_space<vmem>>, vector<1x35952xf32>
    %get3A_167 = vector.shape_cast %get3A_166 : vector<1x35952xf32> to vector<35952xf32>
    %add3A_168 = arith.addf %get3A_163, %get3A_167 : vector<35952xf32>
    %gt3A_169 = arith.constant 0.000000e+00 : f32
    %gt3A_170 = vector.broadcast %gt3A_169 : f32 to vector<35952xf32>
    %gt3A_171 = arith.cmpf ogt, %add3A_168, %gt3A_170 : vector<35952xf32>
    %jit3A_172 = arith.constant 1.000000e+00 : f32
    %broadcast_in_dim3A_173 = vector.broadcast %jit3A_172 : f32 to vector<35952xf32>
    %select_n3A_174 = arith.select %gt3A_171, %add3A_168, %broadcast_in_dim3A_173 : vector<35952xi1>, vector<35952xf32>
    %get3A_175 = arith.constant 18 : index
    %get3A_176 = arith.constant 0 : index
    %get3A_177 = vector.load %arg0[%get3A_175, %get3A_176] : memref<32x35952xf32, #tpu.memory_space<vmem>>, vector<1x35952xf32>
    %get3A_178 = vector.shape_cast %get3A_177 : vector<1x35952xf32> to vector<35952xf32>
    %get3A_179 = arith.constant 19 : index
    %get3A_180 = arith.constant 0 : index
    %get3A_181 = vector.load %arg0[%get3A_179, %get3A_180] : memref<32x35952xf32, #tpu.memory_space<vmem>>, vector<1x35952xf32>
    %get3A_182 = vector.shape_cast %get3A_181 : vector<1x35952xf32> to vector<35952xf32>
    %add3A_183 = arith.addf %get3A_178, %get3A_182 : vector<35952xf32>
    %div3A_184 = arith.divf %add3A_183, %select_n3A_174 : vector<35952xf32>
    %jit3A_185 = arith.constant 0.000000e+00 : f32
    %broadcast_in_dim3A_186 = vector.broadcast %jit3A_185 : f32 to vector<35952xf32>
    %select_n3A_187 = arith.select %gt3A_171, %div3A_184, %broadcast_in_dim3A_186 : vector<35952xi1>, vector<35952xf32>
    %swap3A_188 = arith.constant 6 : index
    %swap3A_189 = arith.constant 0 : index
    %swap3A_190 = vector.load %arg1[%swap3A_188, %swap3A_189] : memref<12x35952xf32, #tpu.memory_space<vmem>>, vector<1x35952xf32>
    %swap3A_191 = vector.shape_cast %swap3A_190 : vector<1x35952xf32> to vector<35952xf32>
    %swap3A_192 = vector.shape_cast %select_n3A_187 : vector<35952xf32> to vector<1x35952xf32>
    tpu.vector_store %arg1[%swap3A_188, %swap3A_189], %swap3A_192 {strides = array<i32>} : memref<12x35952xf32, #tpu.memory_space<vmem>>, vector<1x35952xf32>,
    %swap3A_193 = arith.constant 6 : index
    %swap3A_194 = arith.constant 0 : index
    %swap3A_195 = vector.load %arg2[%swap3A_193, %swap3A_194] : memref<12x35952xf32, #tpu.memory_space<vmem>>, vector<1x35952xf32>
    %swap3A_196 = vector.shape_cast %swap3A_195 : vector<1x35952xf32> to vector<35952xf32>
    %swap3A_197 = vector.shape_cast %add3A_168 : vector<35952xf32> to vector<1x35952xf32>
    tpu.vector_store %arg2[%swap3A_193, %swap3A_194], %swap3A_197 {strides = array<i32>} : memref<12x35952xf32, #tpu.memory_space<vmem>>, vector<1x35952xf32>,
    %get3A_198 = arith.constant 20 : index
    %get3A_199 = arith.constant 0 : index
    %get3A_200 = vector.load %arg0[%get3A_198, %get3A_199] : memref<32x35952xf32, #tpu.memory_space<vmem>>, vector<1x35952xf32>
    %get3A_201 = vector.shape_cast %get3A_200 : vector<1x35952xf32> to vector<35952xf32>
    %get3A_202 = arith.constant 21 : index
    %get3A_203 = arith.constant 0 : index
    %get3A_204 = vector.load %arg0[%get3A_202, %get3A_203] : memref<32x35952xf32, #tpu.memory_space<vmem>>, vector<1x35952xf32>
    %get3A_205 = vector.shape_cast %get3A_204 : vector<1x35952xf32> to vector<35952xf32>
    %add3A_206 = arith.addf %get3A_201, %get3A_205 : vector<35952xf32>
    %div3A_207 = arith.divf %add3A_206, %select_n3A_174 : vector<35952xf32>
    %jit3A_208 = arith.constant 0.000000e+00 : f32
    %broadcast_in_dim3A_209 = vector.broadcast %jit3A_208 : f32 to vector<35952xf32>
    %select_n3A_210 = arith.select %gt3A_171, %div3A_207, %broadcast_in_dim3A_209 : vector<35952xi1>, vector<35952xf32>
    %swap3A_211 = arith.constant 7 : index
    %swap3A_212 = arith.constant 0 : index
    %swap3A_213 = vector.load %arg1[%swap3A_211, %swap3A_212] : memref<12x35952xf32, #tpu.memory_space<vmem>>, vector<1x35952xf32>
    %swap3A_214 = vector.shape_cast %swap3A_213 : vector<1x35952xf32> to vector<35952xf32>
    %swap3A_215 = vector.shape_cast %select_n3A_210 : vector<35952xf32> to vector<1x35952xf32>
    tpu.vector_store %arg1[%swap3A_211, %swap3A_212], %swap3A_215 {strides = array<i32>} : memref<12x35952xf32, #tpu.memory_space<vmem>>, vector<1x35952xf32>,
    %swap3A_216 = arith.constant 7 : index
    %swap3A_217 = arith.constant 0 : index
    %swap3A_218 = vector.load %arg2[%swap3A_216, %swap3A_217] : memref<12x35952xf32, #tpu.memory_space<vmem>>, vector<1x35952xf32>
    %swap3A_219 = vector.shape_cast %swap3A_218 : vector<1x35952xf32> to vector<35952xf32>
    %swap3A_220 = vector.shape_cast %add3A_168 : vector<35952xf32> to vector<1x35952xf32>
    tpu.vector_store %arg2[%swap3A_216, %swap3A_217], %swap3A_220 {strides = array<i32>} : memref<12x35952xf32, #tpu.memory_space<vmem>>, vector<1x35952xf32>,
    %get3A_221 = arith.constant 22 : index
    %get3A_222 = arith.constant 0 : index
    %get3A_223 = vector.load %arg0[%get3A_221, %get3A_222] : memref<32x35952xf32, #tpu.memory_space<vmem>>, vector<1x35952xf32>
    %get3A_224 = vector.shape_cast %get3A_223 : vector<1x35952xf32> to vector<35952xf32>
    %get3A_225 = arith.constant 23 : index
    %get3A_226 = arith.constant 0 : index
    %get3A_227 = vector.load %arg0[%get3A_225, %get3A_226] : memref<32x35952xf32, #tpu.memory_space<vmem>>, vector<1x35952xf32>
    %get3A_228 = vector.shape_cast %get3A_227 : vector<1x35952xf32> to vector<35952xf32>
    %add3A_229 = arith.addf %get3A_224, %get3A_228 : vector<35952xf32>
    %div3A_230 = arith.divf %add3A_229, %select_n3A_174 : vector<35952xf32>
    %jit3A_231 = arith.constant 0.000000e+00 : f32
    %broadcast_in_dim3A_232 = vector.broadcast %jit3A_231 : f32 to vector<35952xf32>
    %select_n3A_233 = arith.select %gt3A_171, %div3A_230, %broadcast_in_dim3A_232 : vector<35952xi1>, vector<35952xf32>
    %swap3A_234 = arith.constant 8 : index
    %swap3A_235 = arith.constant 0 : index
    %swap3A_236 = vector.load %arg1[%swap3A_234, %swap3A_235] : memref<12x35952xf32, #tpu.memory_space<vmem>>, vector<1x35952xf32>
    %swap3A_237 = vector.shape_cast %swap3A_236 : vector<1x35952xf32> to vector<35952xf32>
    %swap3A_238 = vector.shape_cast %select_n3A_233 : vector<35952xf32> to vector<1x35952xf32>
    tpu.vector_store %arg1[%swap3A_234, %swap3A_235], %swap3A_238 {strides = array<i32>} : memref<12x35952xf32, #tpu.memory_space<vmem>>, vector<1x35952xf32>,
    %swap3A_239 = arith.constant 8 : index
    %swap3A_240 = arith.constant 0 : index
    %swap3A_241 = vector.load %arg2[%swap3A_239, %swap3A_240] : memref<12x35952xf32, #tpu.memory_space<vmem>>, vector<1x35952xf32>
    %swap3A_242 = vector.shape_cast %swap3A_241 : vector<1x35952xf32> to vector<35952xf32>
    %swap3A_243 = vector.shape_cast %add3A_168 : vector<35952xf32> to vector<1x35952xf32>
    tpu.vector_store %arg2[%swap3A_239, %swap3A_240], %swap3A_243 {strides = array<i32>} : memref<12x35952xf32, #tpu.memory_space<vmem>>, vector<1x35952xf32>,
    %get3A_244 = arith.constant 24 : index
    %get3A_245 = arith.constant 0 : index
    %get3A_246 = vector.load %arg0[%get3A_244, %get3A_245] : memref<32x35952xf32, #tpu.memory_space<vmem>>, vector<1x35952xf32>
    %get3A_247 = vector.shape_cast %get3A_246 : vector<1x35952xf32> to vector<35952xf32>
    %get3A_248 = arith.constant 25 : index
    %get3A_249 = arith.constant 0 : index
    %get3A_250 = vector.load %arg0[%get3A_248, %get3A_249] : memref<32x35952xf32, #tpu.memory_space<vmem>>, vector<1x35952xf32>
    %get3A_251 = vector.shape_cast %get3A_250 : vector<1x35952xf32> to vector<35952xf32>
    %add3A_252 = arith.addf %get3A_247, %get3A_251 : vector<35952xf32>
    %gt3A_253 = arith.constant 0.000000e+00 : f32
    %gt3A_254 = vector.broadcast %gt3A_253 : f32 to vector<35952xf32>
    %gt3A_255 = arith.cmpf ogt, %add3A_252, %gt3A_254 : vector<35952xf32>
    %jit3A_256 = arith.constant 1.000000e+00 : f32
    %broadcast_in_dim3A_257 = vector.broadcast %jit3A_256 : f32 to vector<35952xf32>
    %select_n3A_258 = arith.select %gt3A_255, %add3A_252, %broadcast_in_dim3A_257 : vector<35952xi1>, vector<35952xf32>
    %get3A_259 = arith.constant 26 : index
    %get3A_260 = arith.constant 0 : index
    %get3A_261 = vector.load %arg0[%get3A_259, %get3A_260] : memref<32x35952xf32, #tpu.memory_space<vmem>>, vector<1x35952xf32>
    %get3A_262 = vector.shape_cast %get3A_261 : vector<1x35952xf32> to vector<35952xf32>
    %get3A_263 = arith.constant 27 : index
    %get3A_264 = arith.constant 0 : index
    %get3A_265 = vector.load %arg0[%get3A_263, %get3A_264] : memref<32x35952xf32, #tpu.memory_space<vmem>>, vector<1x35952xf32>
    %get3A_266 = vector.shape_cast %get3A_265 : vector<1x35952xf32> to vector<35952xf32>
    %add3A_267 = arith.addf %get3A_262, %get3A_266 : vector<35952xf32>
    %div3A_268 = arith.divf %add3A_267, %select_n3A_258 : vector<35952xf32>
    %jit3A_269 = arith.constant 0.000000e+00 : f32
    %broadcast_in_dim3A_270 = vector.broadcast %jit3A_269 : f32 to vector<35952xf32>
    %select_n3A_271 = arith.select %gt3A_255, %div3A_268, %broadcast_in_dim3A_270 : vector<35952xi1>, vector<35952xf32>
    %swap3A_272 = arith.constant 9 : index
    %swap3A_273 = arith.constant 0 : index
    %swap3A_274 = vector.load %arg1[%swap3A_272, %swap3A_273] : memref<12x35952xf32, #tpu.memory_space<vmem>>, vector<1x35952xf32>
    %swap3A_275 = vector.shape_cast %swap3A_274 : vector<1x35952xf32> to vector<35952xf32>
    %swap3A_276 = vector.shape_cast %select_n3A_271 : vector<35952xf32> to vector<1x35952xf32>
    tpu.vector_store %arg1[%swap3A_272, %swap3A_273], %swap3A_276 {strides = array<i32>} : memref<12x35952xf32, #tpu.memory_space<vmem>>, vector<1x35952xf32>,
    %swap3A_277 = arith.constant 9 : index
    %swap3A_278 = arith.constant 0 : index
    %swap3A_279 = vector.load %arg2[%swap3A_277, %swap3A_278] : memref<12x35952xf32, #tpu.memory_space<vmem>>, vector<1x35952xf32>
    %swap3A_280 = vector.shape_cast %swap3A_279 : vector<1x35952xf32> to vector<35952xf32>
    %swap3A_281 = vector.shape_cast %add3A_252 : vector<35952xf32> to vector<1x35952xf32>
    tpu.vector_store %arg2[%swap3A_277, %swap3A_278], %swap3A_281 {strides = array<i32>} : memref<12x35952xf32, #tpu.memory_space<vmem>>, vector<1x35952xf32>,
    %get3A_282 = arith.constant 28 : index
    %get3A_283 = arith.constant 0 : index
    %get3A_284 = vector.load %arg0[%get3A_282, %get3A_283] : memref<32x35952xf32, #tpu.memory_space<vmem>>, vector<1x35952xf32>
    %get3A_285 = vector.shape_cast %get3A_284 : vector<1x35952xf32> to vector<35952xf32>
    %get3A_286 = arith.constant 29 : index
    %get3A_287 = arith.constant 0 : index
    %get3A_288 = vector.load %arg0[%get3A_286, %get3A_287] : memref<32x35952xf32, #tpu.memory_space<vmem>>, vector<1x35952xf32>
    %get3A_289 = vector.shape_cast %get3A_288 : vector<1x35952xf32> to vector<35952xf32>
    %add3A_290 = arith.addf %get3A_285, %get3A_289 : vector<35952xf32>
    %div3A_291 = arith.divf %add3A_290, %select_n3A_258 : vector<35952xf32>
    %jit3A_292 = arith.constant 0.000000e+00 : f32
    %broadcast_in_dim3A_293 = vector.broadcast %jit3A_292 : f32 to vector<35952xf32>
    %select_n3A_294 = arith.select %gt3A_255, %div3A_291, %broadcast_in_dim3A_293 : vector<35952xi1>, vector<35952xf32>
    %swap3A_295 = arith.constant 10 : index
    %swap3A_296 = arith.constant 0 : index
    %swap3A_297 = vector.load %arg1[%swap3A_295, %swap3A_296] : memref<12x35952xf32, #tpu.memory_space<vmem>>, vector<1x35952xf32>
    %swap3A_298 = vector.shape_cast %swap3A_297 : vector<1x35952xf32> to vector<35952xf32>
    %swap3A_299 = vector.shape_cast %select_n3A_294 : vector<35952xf32> to vector<1x35952xf32>
    tpu.vector_store %arg1[%swap3A_295, %swap3A_296], %swap3A_299 {strides = array<i32>} : memref<12x35952xf32, #tpu.memory_space<vmem>>, vector<1x35952xf32>,
    %swap3A_300 = arith.constant 10 : index
    %swap3A_301 = arith.constant 0 : index
    %swap3A_302 = vector.load %arg2[%swap3A_300, %swap3A_301] : memref<12x35952xf32, #tpu.memory_space<vmem>>, vector<1x35952xf32>
    %swap3A_303 = vector.shape_cast %swap3A_302 : vector<1x35952xf32> to vector<35952xf32>
    %swap3A_304 = vector.shape_cast %add3A_252 : vector<35952xf32> to vector<1x35952xf32>
    tpu.vector_store %arg2[%swap3A_300, %swap3A_301], %swap3A_304 {strides = array<i32>} : memref<12x35952xf32, #tpu.memory_space<vmem>>, vector<1x35952xf32>,
    %get3A_305 = arith.constant 30 : index
    %get3A_306 = arith.constant 0 : index
    %get3A_307 = vector.load %arg0[%get3A_305, %get3A_306] : memref<32x35952xf32, #tpu.memory_space<vmem>>, vector<1x35952xf32>
    %get3A_308 = vector.shape_cast %get3A_307 : vector<1x35952xf32> to vector<35952xf32>
    %get3A_309 = arith.constant 31 : index
    %get3A_310 = arith.constant 0 : index
    %get3A_311 = vector.load %arg0[%get3A_309, %get3A_310] : memref<32x35952xf32, #tpu.memory_space<vmem>>, vector<1x35952xf32>
    %get3A_312 = vector.shape_cast %get3A_311 : vector<1x35952xf32> to vector<35952xf32>
    %add3A_313 = arith.addf %get3A_308, %get3A_312 : vector<35952xf32>
    %div3A_314 = arith.divf %add3A_313, %select_n3A_258 : vector<35952xf32>
    %jit3A_315 = arith.constant 0.000000e+00 : f32
    %broadcast_in_dim3A_316 = vector.broadcast %jit3A_315 : f32 to vector<35952xf32>
    %select_n3A_317 = arith.select %gt3A_255, %div3A_314, %broadcast_in_dim3A_316 : vector<35952xi1>, vector<35952xf32>
    %swap3A_318 = arith.constant 11 : index
    %swap3A_319 = arith.constant 0 : index
    %swap3A_320 = vector.load %arg1[%swap3A_318, %swap3A_319] : memref<12x35952xf32, #tpu.memory_space<vmem>>, vector<1x35952xf32>
    %swap3A_321 = vector.shape_cast %swap3A_320 : vector<1x35952xf32> to vector<35952xf32>
    %swap3A_322 = vector.shape_cast %select_n3A_317 : vector<35952xf32> to vector<1x35952xf32>
    tpu.vector_store %arg1[%swap3A_318, %swap3A_319], %swap3A_322 {strides = array<i32>} : memref<12x35952xf32, #tpu.memory_space<vmem>>, vector<1x35952xf32>,
    %swap3A_323 = arith.constant 11 : index
    %swap3A_324 = arith.constant 0 : index
    %swap3A_325 = vector.load %arg2[%swap3A_323, %swap3A_324] : memref<12x35952xf32, #tpu.memory_space<vmem>>, vector<1x35952xf32>
    %swap3A_326 = vector.shape_cast %swap3A_325 : vector<1x35952xf32> to vector<35952xf32>
    %swap3A_327 = vector.shape_cast %add3A_252 : vector<35952xf32> to vector<1x35952xf32>
    tpu.vector_store %arg2[%swap3A_323, %swap3A_324], %swap3A_327 {strides = array<i32>} : memref<12x35952xf32, #tpu.memory_space<vmem>>, vector<1x35952xf32>,
    return
  }
}

</mosaic_0001>

<sc_bundles>
// kernel: kernel.4.cloned.1.call-start
scs
__scs_entry_jumppad:
0x0: {  	(pc) =	sbr.rel $0x88, $3  }
0x1: {  	(tag) =	ssettag $0x0;
	lr =	simm.s32 $0x1  }
0x2: {  	[smem:$0x3F9E] =	sst lr;
	_ =	strace $0xD0000000  }
0x3: {  	_ = 	snop  }
0x4: {  	_ = 	snop  }
0x5: {  	_ = 	snop  }
0x6: {  	_ = 	snop  }
0x7: {  	_ = 	snop  }
__scs_overlays_trampoline_lowered:
0x8: {  	[smem:$0x3FAD] =	sst s0  }
0x9: {  	[smem:$0x3FAE] =	sst s1  }
0xa: {  	[smem:$0x3FAF] =	sst s2  }
0xb: {  	[smem:$0x3FB0] =	sst s3  }
0xc: {  	[smem:$0x3FB1] =	sst s4  }
0xd: {  	[smem:$0x3FB2] =	sst s5  }
0xe: {  	[smem:$0x3FB3] =	sst s6  }
0xf: {  	[smem:$0x3FB4] =	sst s7  }
0x10: {  	[smem:$0x3FB5] =	sst s8  }
0x11: {  	[smem:$0x3FB6] =	sst s9;
	s0 =	simm.s32 @!p0 $0x0  }
0x12: {  	s1 =	sld [smem:$0x3F9C];
	s0 =	simm.s32 @p0 $0x1  }
0x13: {  	[smem:$0x3FB7] =	sst s0;
	s0 =	simm.s32 @!p1 $0x0  }
0x14: {  	s2 =	sld [smem:$0x3F9B];
	s0 =	simm.s32 @p1 $0x1  }
0x15: {  	[smem:$0x3FB8] =	sst s0;
	s0 =	simm.s32 @!p2 $0x0  }
0x16: {  	s3 =	sld [smem:$0x3FDB];
	s0 =	simm.s32 @p2 $0x1  }
0x17: {  	s4 =	simm.s32 $0x1BF5;
	[smem:$0x3FBA] =	sst s0  }
0x18: {  	s0 =	sld [smem:$0x3F9D];
	_ =	swait.ge [sflag:s4], $0x0  }
0x19: {  	s7 =	sld [smem:$0x3F9E]  }
0x1a: {  	s8 =	sadd.s32 $0xFFFFE003, lr  }
0x1b: {  	s9 =	sadd.s32 $0xFFFFFEF7, lr;
	s5 =	simm.s32 $0xFFFFFFFF;
	p2 =	slt.u32 s8, $0xFFFFF086  }
0x1c: {  	p1 =	slt.u32 s9, $0xF7A;
	s5 =	simm.s32 @!p2 $0x0  }
0x1d: {  	s5 =	simm.s32 @p1 $0x1;
	p0 =	seq.s32 s7, s2  }
0x1e: {  	s7 =	smul.u32 @!p0 $0xF7A, s2;
	p2 =	seq.s32 @!p0 s5, $0x0  }
0x1f: {  	s9 =	smul.u32 $0xF7A, s1;
	s8 =	simm.s32 @!p0 $0x1BF5;
	p2 =	por !p2, p0  }
0x20: {  	[sflag:s8] =	ssyncset.s32 @!p0 $0xFFFFF086;
	s6 =	sadd.s32 @!p0 s3, s7;
	s7 =	simm.s32 @!p0 $0x108  }
0x21: {  	s3 =	sadd.s32 s3, s9;
	s6 =	sadd.s32 @!p0 $0x88, s6;
	s7 =	simm.s32 @p2 $0x1082  }
0x22: {  	[simem:s7], [sflag:s8] =	dma.local @!p0 [hbm:s6], $0xF7A  }
0x23: {  	s9 =	sor.u32 $0xD0000000, s2;
	s6 =	simm.s32 $0x108;
	_ =	swait.ge @!p0 [sflag:s8], $0x0  }
0x24: {  	s3 =	sadd.s32 $0x88, s3;
	s6 =	simm.s32 @!p1 $0x1082;
	[sflag:s4] =	ssyncset.s32 $0xFFFFF086  }
0x25: {  	[simem:s6], [sflag:s4] =	dma.local [hbm:s3], $0xF7A  }
0x26: {  	[smem:$0x3F9E] =	sst s1;
	(tag) =	ssettag s2;
	_ =	strace s9  }
0x27: {  	s1 =	sld [smem:$0x3FAE]  }
0x28: {  	s2 =	sld [smem:$0x3FAF]  }
0x29: {  	s4 =	sld [smem:$0x3FB1]  }
0x2a: {  	p0 =	seq.s32 s5, $0x0;
	s5 =	sld [smem:$0x3FB2]  }
0x2b: {  	s6 =	sld [smem:$0x3FB3]  }
0x2c: {  	s7 =	sld [smem:$0x3FB4]  }
0x2d: {  	s3 =	simm.s32 $0x108;
	s8 =	sld [smem:$0x3FB5]  }
0x2e: {  	s3 =	simm.s32 @!p0 $0x1082;
	s9 =	sld [smem:$0x3FB6]  }
0x2f: {  	lr =	sadd.s32 s0, s3;
	s0 =	sld [smem:$0x3FAD]  }
0x30: {  	s3 =	sld [smem:$0x3FB0]  }
0x31: {  	[smem:$0x3FB9] =	sst s10  }
0x32: {  	s10 =	sld [smem:$0x3FB7];
	_ =	sdelay $0x3  }
0x33: {  	p0 =	seq.s32 s10, $0x1;
	s10 =	sld [smem:$0x3FB9];
	_ =	sdelay $0x3  }
0x34: {  	[smem:$0x3FB9] =	sst s10  }
0x35: {  	s10 =	sld [smem:$0x3FB8];
	_ =	sdelay $0x3  }
0x36: {  	p1 =	seq.s32 s10, $0x1;
	s10 =	sld [smem:$0x3FB9];
	_ =	sdelay $0x3  }
0x37: {  	[smem:$0x3FB9] =	sst s10  }
0x38: {  	s10 =	sld [smem:$0x3FBA]  }
0x39: {  	_ = 	snop;
	(pc) =	sbr.ind lr, $3  }
0x3a: {  	_ = 	snop  }
0x3b: {  	_ = 	snop  }
0x3c: {  	p2 =	seq.s32 s10, $0x1;
	s10 =	sld [smem:$0x3FB9]  }
0x3d: {  	_ =	shalt  }
0x3e: {  	_ =	shalt  }
0x3f: {  	_ =	shalt  }
0x40: {  	_ =	shalt  }
0x41: {  	_ =	shalt  }
0x42: {  	_ =	shalt  }
0x43: {  	_ =	shalt  }
0x44: {  	_ =	shalt  }
0x45: {  	_ =	shalt  }
0x46: {  	_ =	shalt  }
0x47: {  	_ =	shalt  }
0x48: {  	_ =	shalt  }
0x49: {  	_ =	shalt  }
0x4a: {  	_ =	shalt  }
0x4b: {  	_ =	shalt  }
0x4c: {  	_ =	shalt  }
0x4d: {  	_ =	shalt  }
0x4e: {  	_ =	shalt  }
0x4f: {  	_ =	shalt  }
0x50: {  	_ =	shalt  }
0x51: {  	_ =	shalt  }
0x52: {  	_ =	shalt  }
0x53: {  	_ =	shalt  }
0x54: {  	_ =	shalt  }
0x55: {  	_ =	shalt  }
0x56: {  	_ =	shalt  }
0x57: {  	_ =	shalt  }
0x58: {  	_ =	shalt  }
0x59: {  	_ =	shalt  }
0x5a: {  	_ =	shalt  }
0x5b: {  	_ =	shalt  }
0x5c: {  	_ =	shalt  }
0x5d: {  	_ =	shalt  }
0x5e: {  	_ =	shalt  }
0x5f: {  	_ =	shalt  }
0x60: {  	_ =	shalt  }
0x61: {  	_ =	shalt  }
0x62: {  	_ =	shalt  }
0x63: {  	_ =	shalt  }
0x64: {  	_ =	shalt  }
0x65: {  	_ =	shalt  }
0x66: {  	_ =	shalt  }
0x67: {  	_ =	shalt  }
0x68: {  	_ =	shalt  }
0x69: {  	_ =	shalt  }
0x6a: {  	_ =	shalt  }
0x6b: {  	_ =	shalt  }
0x6c: {  	_ =	shalt  }
0x6d: {  	_ =	shalt  }
0x6e: {  	_ =	shalt  }
0x6f: {  	_ =	shalt  }
0x70: {  	_ =	shalt  }
0x71: {  	_ =	shalt  }
0x72: {  	_ =	shalt  }
0x73: {  	_ =	shalt  }
0x74: {  	_ =	shalt  }
0x75: {  	_ =	shalt  }
0x76: {  	_ =	shalt  }
0x77: {  	_ =	shalt  }
0x78: {  	_ =	shalt  }
0x79: {  	_ =	shalt  }
0x7a: {  	_ =	shalt  }
0x7b: {  	_ =	shalt  }
0x7c: {  	_ =	shalt  }
0x7d: {  	_ =	shalt  }
0x7e: {  	_ =	shalt  }
0x7f: {  	_ =	shalt  }
0x80: {  	_ =	shalt  }
0x81: {  	_ =	shalt  }
0x82: {  	_ =	shalt  }
0x83: {  	_ =	shalt  }
0x84: {  	_ =	shalt  }
0x85: {  	_ =	shalt  }
0x86: {  	_ =	shalt  }
0x87: {  	_ =	shalt  }
.Lfunc_end0:
.L_simem_size_0:
called_computation_lowered:
.L_overlay_start_0:
0x88: {  	s2 =	sld [smem:$0x3FD9]  }
0x89: {  	s3 =	sld [smem:$0x3FFE];
	_ =	sdelay $0x1  }
0x8a: {  	s1 =	srdreg.scid  }
0x8b: {  	s0 =	sand.u32 $0x1, s1  }
0x8c: {  	s14 =	sshll.u32 s0, $0xA;
	s2 =	sadd.s32 s3, s2  }
0x8d: {  	s2 =	sadd.s32 s2, s14  }
0x8e: {  	[smem:$0x3FC5] =	sst s2  }
0x8f: {  	_ = 	snop  }
0x90: {  	s2 =	sld [smem:$0x3FD0];
	_ =	sdelay $0x2  }
0x91: {  	s15 =	simm.s32 $0xA;
	s4 =	simm.s32 $0x10  }
0x92: {  	[smem:s4], [sflag:s15] =	dma.local [hbm:s2], $0x1  }
0x93: {  	_ =	swait.eq [sflag:s15], $0x1  }
0x94: {  	s16 =	sld [smem:$0x10];
	[sflag:s15] =	ssyncset.done $0x0  }
0x95: {  	s17 =	sld [smem:$0x11];
	[sflag:s15] =	ssyncadd.s32 $0xFFFFFFFF  }
0x96: {  	s18 =	sld [smem:$0x12];
	(tm) =	ssettm $0x1  }
0x97: {  	s5 =	sld [smem:$0x3FFB];
	_ =	sdelay $0x3  }
0x98: {  	_ =	strace s5  }
0x99: {  	s5 =	sld [smem:$0x3FFC];
	_ =	sdelay $0x3  }
0x9a: {  	_ =	strace s5  }
0x9b: {  	s5 =	sld [smem:$0x3FFD];
	_ =	sdelay $0x3  }
0x9c: {  	_ =	strace s5  }
0x9d: {  	_ =	strace $0x8FFFFFFF  }
0x9e: {  	s19 =	sld [smem:$0x3FDB];
	_ =	sdelay $0x1  }
0x9f: {  	s6 =	simm.s32 $_scs_section_size  }
0xa0: {  	s7 =	simm.s32 $_size__tile_overlayer_lowered;
	s8 =	simm.s32 $_tile_overlayer_lowered  }
0xa1: {  	s22 =	simm.s32 $0x1BFF;
	s21 =	sshll.u32 s8, $0x1;
	s5 =	sadd.s32 s6, s19  }
0xa2: {  	s9 =	simm.s32 $0x0;
	s20 =	sshll.u32 s7, $0x1;
	s7 =	sadd.s32 s21, s5  }
0xa3: {  	[timem:s9], [sflag:s22] =	dma.local [hbm:s7], s20  }
0xa4: {  	_ =	swait.ge [sflag:s22], s20  }
0xa5: {  	s6 =	ssub.s32 $0x0, s20;
	[sflag:s22] =	ssyncset.done $0x0  }
0xa6: {  	[sflag:s22] =	ssyncadd.s32 s6;
	_ =	sdelay $0x1  }
0xa7: {  	s23 =	simm.s32 $0x1B8B  }
0xa8: {  	_ =	swait.ge [sflag:s23], $0x1  }
0xa9: {  	[sflag:s23] =	ssyncset.done $0x0  }
0xaa: {  	s25 =	simm.s32 $0x1B8E;
	s24 =	sld [smem:$0x3FFE];
	[sflag:s23] =	ssyncadd.s32 $0xFFFFFFFF  }
0xab: {  	s26 =	simm.s32 $execute0_lowered;
	[smem:$0x3FD2] =	sst s25  }
0xac: {  	s7 =	sshll.u32 s26, $0x1;
	_ =	strace $0x80000046;
	[dreg:$0x1] =	wrdreg $0xFFFFFFFF  }
0xad: {  	s28 =	simm.s32 $_size_execute0_lowered;
	s5 =	sadd.s32 s5, s7;
	[dreg:$0x0] =	wrdreg $0x0  }
0xae: {  	s7 =	sshll.u32 s28, $0x1;
	[dreg:$0x2] =	wrdreg s5  }
0xaf: {  	[dreg:$0x3] =	wrdreg s7  }
0xb0: {  	[dreg:$0x4] =	wrdreg $0xC0  }
0xb1: {  	_ =	task [dreg:s9], $0x5FFFF  }
0xb2: {  	[dreg:$0x1] =	wrdreg $0xFFFFFFFF  }
0xb3: {  	[dreg:$0x0] =	wrdreg $0x60  }
0xb4: {  	[dreg:$0x2] =	wrdreg s18  }
0xb5: {  	[dreg:$0x3] =	wrdreg s16  }
0xb6: {  	[dreg:$0x4] =	wrdreg s24  }
0xb7: {  	[dreg:$0x5] =	wrdreg s17  }
0xb8: {  	[dreg:$0x6] =	wrdreg $0x9  }
0xb9: {  	_ =	task.clear_ibuf [dreg:s9], $0x7FFFF;
	_ =	strace $0x90000046  }
0xba: {  	s29 =	simm.s32 $0x9;
	_ =	strace $0x80000048  }
0xbb: {  	_ =	swait.ge [sflag:s29], $0x1  }
0xbc: {  	[sflag:s29] =	ssyncadd.s32 $0xFFFFFFFF  }
0xbd: {  	_ =	strace $0x90000048  }
0xbe: {  	_ =	sfence  }
0xbf: {  	s30 =	sld [smem:$0x0];
	_ =	sdelay $0x2  }
0xc0: {  	s31 =	sshll.u32 s1, $0xD;
	s1 =	sshrl.u32 s1, $0x2  }
0xc1: {  	s3 =	sand.u32 $0x4000, s31;
	s1 =	sadd.s32 s1, s30  }
0xc2: {  	s0 =	sor.u32 s3, s0;
	s1 =	sshll.u32 s1, $0x11  }
0xc3: {  	s0 =	sor.u32 s1, s0  }
0xc4: {  	s0 =	sadd.s32 $0x8F2B, s0  }
0xc5: {  	[sflag:s0] =	ssyncadd.remote.s32 $0x1  }
0xc6: {  	_ =	sfence.sel $0xFFFF  }
0xc7: {  	[dreg:$0x0] =	wrdreg $0xFFFFFFFF;
	(pc) =	sbr.abs _section_cstart, $3  }
0xc8: {  	[dreg:$0x1] =	wrdreg $0xFFFFFFFF  }
0xc9: {  	_ =	task.clear_ibuf [dreg:s9], $0x2FFFF;
	_ =	strace $0x9FFFFFFF  }
0xca: {  	(tm) =	ssettm $0x7FFFFFFF  }
0xcb: {  	_ =	shalt  }
tec
execute0_lowered:
.L_overlay_start_1:
0x0: {  	(tag) =	ssettag $0x1  }
0x1: {  	s1 =	rddreg [dreg:$0x0]  }
0x2: {  	s2 =	rddreg [dreg:$0x1]  }
0x3: {  	s4 =	rddreg [dreg:$0x2]  }
0x4: {  	s10 =	rddreg [dreg:$0x3]  }
0x5: {  	s0 =	rddreg [dreg:$0x4];
	s3 =	simm.s32 $0x0;
	s5 =	srdreg.scid  }
0x6: {  	s14 =	simm.s32 $0x9C80;
	s15 =	simm.s32 $0xAC80;
	s16 =	simm.s32 $0xBC80  }
0x7: {  	s17 =	simm.s32 $0xCC80;
	s18 =	simm.s32 $0x80;
	s19 =	simm.s32 $0x400  }
0x8: {  	s20 =	simm.s32 $0x0;
	[smem:$0x7FF] =	sst s3;
	s6 =	sand.u32 $0x1, s5  }
0x9: {  	s5 =	sadd.s32 $0x1400, s4;
	s4 =	stileid.u32;
	_ =	strace $0x80000047  }
0xa: {  	s7 =	ssub.s32 $0x2, s6;
	s9 =	sshll.u32 s6, $0x1;
	s11 =	sshrl.u32 s4, $0x3  }
0xb: {  	s24 =	sshrl.u32 s4, $0x1;
	s6 =	sshll.u32 s6, $0x4;
	s28 =	sshll.u32 s4, $0x7  }
0xc: {  	s29 =	sshll.u32 s4, $0x11;
	s8 =	sshrl.u32 s7, $0x1;
	s9 =	sor.u32 s11, s9  }
0xd: {  	s11 =	sand.u32 $0x3, s24;
	s6 =	sor.u32 s4, s6;
	s30 =	sand.u32 $0x380, s28  }
0xe: {  	s12 =	smul.u32 $0x3, s9;
	s13 =	ssub.s32 s7, s8;
	s6 =	sshrl.u32 s6, $0x3  }
0xf: {  	s25 =	smax.u32 s11, $0x1;
	p0 =	seq.s32 s11, $0x0;
	s26 =	smul.u32 $0x46400, s6  }
0x10: {  	s7 =	smul.u32 $0xC0000, s9;
	s8 =	sshll.u32 s9, $0x12;
	s12 =	sadd.s32 s12, s25  }
0x11: {  	s6 =	sand.u32 $0x20000, s29;
	s11 =	sor.u32 s30, s26;
	s31 =	sshll.u32 s12, $0x12  }
0x12: {  	s12 =	simm.s32 $0x8C80;
	s11 =	sshrl.u32 s11, $0x3;
	s9 =	sadd.s32 $0xFFFC0000, s31  }
0x13: {  	v0 =	vimm.f32 $0.0e+00;
	s10 =	sadd.s32 s10, s11;
	s11 =	smax.u32 s13, $0x1;
	s13 =	simm.s32 $0x1  }
.LBB2_1:
0x14: {  	s21 =	simm.s32 $0x40;
	s22 =	simm.s32 $0x0  }
.LBB2_2:
0x15: {  	p1 =	sne.s32 s21, $0x23180;
	[tilespmem:s22+$0x0] =	vst v0;
	s22 =	smov.u32 s21;
	s21 =	sadd.s32 $0x40, s21  }
.Ltmp0:
0x16: {  	(pc) =	sbr.rel @p1 .LBB2_2-.Ltmp0, $2  }
0x17: {  	_ =	sdelay $0x2  }
0x18: {  	s22 =	sshra.s32 s22, $0x2  }
0x19: {  	[tilespmem:s22+$0x0] =	vst v0;
	s21 =	simm.s32 $0x0;
	s22 =	simm.s32 $0x0  }
.LBB2_4:
0x1a: {  	s23 =	sshll.u32 s22, $0xC  }
0x1b: {  	s23 =	sadd.s32 s6, s23  }
0x1c: {  	s24 =	sadd.s32 s7, s23  }
0x1d: {  	s24 =	sshrl.u32 s24, $0x3  }
0x1e: {  	s24 =	sadd.s32 s1, s24  }
0x1f: {  	[tilespmem:s12], [sflag:$0x1] =	stream.linear.gather [hbm4b:s24+s21], $0x1000, $0x38;
	[tilespmem:$0xDC80] =	vst v63  }
0x20: {  	_ =	swait.ge [sflag:s13], $0x1000  }
0x21: {  	[sflag:s13] =	ssyncset.done $0x0  }
0x22: {  	s25 =	sadd.s32 $0x8000, s24;
	[sflag:s13] =	ssyncadd.s32 $0xFFFFF000  }
0x23: {  	[tilespmem:s14], [sflag:$0x1] =	stream.linear.gather [hbm4b:s25+s21], $0x1000, $0x38;
	[tilespmem:$0xDC80] =	vst v63  }
0x24: {  	_ =	swait.ge [sflag:s13], $0x1000  }
0x25: {  	[sflag:s13] =	ssyncset.done $0x0  }
0x26: {  	s24 =	sadd.s32 $0x10000, s24;
	[sflag:s13] =	ssyncadd.s32 $0xFFFFF000  }
0x27: {  	[tilespmem:s15], [sflag:$0x1] =	stream.linear.gather [hbm4b:s24+s21], $0x1000, $0x38;
	[tilespmem:$0xDC80] =	vst v63  }
0x28: {  	s30 =	sadd.s32 s8, s23;
	_ =	swait.ge [sflag:s13], $0x1000  }
0x29: {  	s24 =	sshrl.u32 s30, $0x3;
	[sflag:s13] =	ssyncset.done $0x0  }
0x2a: {  	s24 =	sadd.s32 s2, s24;
	[sflag:s13] =	ssyncadd.s32 $0xFFFFF000  }
0x2b: {  	[tilespmem:s16], [sflag:$0x1] =	stream.linear.gather [hbm4b:s24+s21], $0x1000, $0x38;
	[tilespmem:$0xDC80] =	vst v63  }
0x2c: {  	s23 =	sadd.s32 s9, s23;
	_ =	swait.ge [sflag:s13], $0x1000  }
0x2d: {  	s23 =	sshrl.u32 s23, $0x3;
	[sflag:s13] =	ssyncset.done $0x0  }
0x2e: {  	s23 =	sadd.s32 s5, s23;
	[sflag:s13] =	ssyncadd.s32 $0xFFFFF000  }
0x2f: {  	[tilespmem:s17], [sflag:$0x1] =	stream.linear.gather [hbm4b:s23+s21], $0x1000, $0x38;
	[tilespmem:$0xDC80] =	vst v63  }
0x30: {  	_ =	swait.ge [sflag:s13], $0x1000  }
0x31: {  	[sflag:s13] =	ssyncset.done $0x0  }
0x32: {  	s31 =	simm.s32 $0x0;
	[sflag:s13] =	ssyncadd.s32 $0xFFFFF000  }
0x33: {  	v1 =	vld [tilespmem:s31+$0x8C80]  }
0x34: {  	v2 =	vld [tilespmem:s31+$0x9C80]  }
0x35: {  	v4 =	vld [tilespmem:s31+$0xAC80]  }
0x36: {  	v3 =	vld [tilespmem:s31+$0xCC80]  }
0x37: {  	v5 =	vld [tilespmem:s31+$0xBC80]  }
0x38: {  	v1 =	vmul.f32 $3.199996760e+01, v1  }
0x39: {  	v2 =	vmul.f32 $3.199996760e+01, v2  }
0x3a: {  	v4 =	vmul.f32 $3.199996760e+01, v4;
	v6 =	vtrunc.f32 v1  }
0x3b: {  	v7 =	vtrunc.f32 v2;
	v6 =	vcvt.f32.s32 v6  }
0x3c: {  	v3 =	vmul.f32 v3, v5;
	v7 =	vcvt.f32.s32 v7  }
0x3d: {  	v9 =	vtrunc.f32 v4;
	v8 =	vcvt.s32.f32 v6  }
0x3e: {  	v6 =	vmul.u32 $0x441, v6;
	v10 =	vcvt.s32.f32 v7;
	v7 =	vmul.u32 $0x21, v7  }
0x3f: {  	v9 =	vcvt.f32.s32 v9;
	v1 =	vsub.f32 v1, v8  }
0x40: {  	v5 =	vpsel p0, v5, v3;
	v8 =	vsub.f32 v2, v10;
	v2 =	vadd.s32 v6, v7  }
0x41: {  	v6 =	vcvt.s32.f32 v9;
	v3 =	vadd.s32 v9, v2;
	v7 =	vmul.f32 v5, v1  }
0x42: {  	v9 =	vsub.f32 $1.000000000e+00, v8;
	v2 =	vadd.s32 $0x1, v3;
	v1 =	vadd.s32 $0x463, v3  }
0x43: {  	v14 =	vsub.f32 v4, v6;
	v4 =	vadd.s32 $0x21, v3;
	v6 =	vsub.f32 v5, v7  }
0x44: {  	v11 =	vadd.s32 $0x462, v3;
	v15 =	vmul.f32 v7, v9;
	v7 =	vmul.f32 v7, v8  }
0x45: {  	v10 =	vsub.f32 $1.000000000e+00, v14;
	v17 =	vmul.f32 v6, v9;
	v12 =	vmul.f32 v6, v8  }
0x46: {  	v5 =	vadd.s32 $0x22, v3;
	v8 =	vmul.f32 v15, v14;
	v6 =	vmul.f32 v7, v14  }
0x47: {  	v9 =	vadd.s32 $0x442, v3;
	v16 =	vmul.f32 v17, v10;
	v13 =	vmul.f32 v12, v14  }
0x48: {  	s24 =	simm.s32 $0x80;
	s23 =	simm.s32 $0x40;
	v17 =	vmul.f32 v17, v14;
	v14 =	vmul.f32 v15, v10;
	v15 =	vadd.s32 $0x441, v3  }
.LBB2_5:
0x49: {  	p1 =	sne.s32 s24, $0x3FC0  }
0x4a: {  	s25 =	sshra.s32 s23, $0x2;
	[tilespmem:v3+s3+$0x0] =	vst.idx.add.f32.msk $0xffff, v16;
	v3 =	vmul.f32 v12, v10;
	s23 =	smov.u32 s24;
	s24 =	sadd.s32 $0x40, s24  }
0x4b: {  	[tilespmem:v2+s3+$0x0] =	vst.idx.add.f32.msk $0xffff, v17;
	v2 =	vmul.f32 v7, v10  }
0x4c: {  	[tilespmem:v4+s3+$0x0] =	vst.idx.add.f32.msk $0xffff, v3  }
0x4d: {  	[tilespmem:v5+s3+$0x0] =	vst.idx.add.f32.msk $0xffff, v13  }
0x4e: {  	[tilespmem:v15+s3+$0x0] =	vst.idx.add.f32.msk $0xffff, v14  }
0x4f: {  	[tilespmem:v9+s3+$0x0] =	vst.idx.add.f32.msk $0xffff, v8  }
0x50: {  	[tilespmem:v11+s3+$0x0] =	vst.idx.add.f32.msk $0xffff, v2  }
0x51: {  	[tilespmem:v1+s3+$0x0] =	vst.idx.add.f32.msk $0xffff, v6  }
0x52: {  	v1 =	vld [tilespmem:s25+$0x8C80]  }
0x53: {  	v2 =	vld [tilespmem:s25+$0x9C80];
	_ =	sdelay $0x1  }
0x54: {  	v3 =	vld [tilespmem:s25+$0xCC80]  }
0x55: {  	v4 =	vld [tilespmem:s25+$0xAC80]  }
0x56: {  	v5 =	vld [tilespmem:s25+$0xBC80];
	v1 =	vmul.f32 $3.199996760e+01, v1  }
0x57: {  	v2 =	vmul.f32 $3.199996760e+01, v2  }
0x58: {  	v6 =	vtrunc.f32 v1  }
0x59: {  	v6 =	vcvt.f32.s32 v6;
	v7 =	vtrunc.f32 v2  }
0x5a: {  	v4 =	vmul.f32 $3.199996760e+01, v4;
	v7 =	vcvt.f32.s32 v7  }
0x5b: {  	v8 =	vcvt.s32.f32 v6;
	v3 =	vmul.f32 v3, v5;
	v6 =	vmul.u32 $0x441, v6  }
0x5c: {  	v9 =	vtrunc.f32 v4;
	v10 =	vcvt.s32.f32 v7;
	v7 =	vmul.u32 $0x21, v7  }
0x5d: {  	v9 =	vcvt.f32.s32 v9;
	v1 =	vsub.f32 v1, v8;
	v5 =	vpsel p0, v5, v3  }
0x5e: {  	v8 =	vsub.f32 v2, v10;
	v2 =	vadd.s32 v6, v7  }
0x5f: {  	v6 =	vcvt.s32.f32 v9;
	v7 =	vmul.f32 v5, v1;
	v3 =	vadd.s32 v9, v2  }
0x60: {  	v9 =	vsub.f32 $1.000000000e+00, v8;
	v2 =	vadd.s32 $0x1, v3;
	v1 =	vadd.s32 $0x463, v3  }
0x61: {  	v14 =	vsub.f32 v4, v6;
	v6 =	vsub.f32 v5, v7;
	v4 =	vadd.s32 $0x21, v3  }
.Ltmp1:
0x62: {  	v5 =	vadd.s32 $0x22, v3;
	v15 =	vmul.f32 v7, v9;
	v7 =	vmul.f32 v7, v8;
	(pc) =	sbr.rel @p1 .LBB2_5-.Ltmp1, $4  }
0x63: {  	v10 =	vsub.f32 $1.000000000e+00, v14;
	v17 =	vmul.f32 v6, v9;
	v12 =	vmul.f32 v6, v8  }
0x64: {  	v9 =	vadd.s32 $0x442, v3;
	v8 =	vmul.f32 v15, v14;
	v6 =	vmul.f32 v7, v14  }
0x65: {  	v11 =	vadd.s32 $0x462, v3;
	v16 =	vmul.f32 v17, v10;
	v13 =	vmul.f32 v12, v14  }
0x66: {  	v17 =	vmul.f32 v17, v14;
	v14 =	vmul.f32 v15, v10;
	v15 =	vadd.s32 $0x441, v3  }
0x67: {  	_ =	sdelay $0x3  }
0x68: {  	[tilespmem:v3+s3+$0x0] =	vst.idx.add.f32.msk $0xffff, v16;
	v3 =	vmul.f32 v12, v10  }
0x69: {  	[tilespmem:v2+s3+$0x0] =	vst.idx.add.f32.msk $0xffff, v17  }
0x6a: {  	[tilespmem:v4+s3+$0x0] =	vst.idx.add.f32.msk $0xffff, v3  }
0x6b: {  	[tilespmem:v5+s3+$0x0] =	vst.idx.add.f32.msk $0xffff, v13  }
0x6c: {  	v2 =	vmul.f32 v7, v10;
	[tilespmem:v15+s3+$0x0] =	vst.idx.add.f32.msk $0xffff, v14  }
0x6d: {  	[tilespmem:v9+s3+$0x0] =	vst.idx.add.f32.msk $0xffff, v8  }
0x6e: {  	[tilespmem:v11+s3+$0x0] =	vst.idx.add.f32.msk $0xffff, v2  }
0x6f: {  	s23 =	sshra.s32 s23, $0x2;
	[tilespmem:v1+s3+$0x0] =	vst.idx.add.f32.msk $0xffff, v6  }
0x70: {  	v1 =	vld [tilespmem:s23+$0x8C80]  }
0x71: {  	v2 =	vld [tilespmem:s23+$0x9C80]  }
0x72: {  	v4 =	vld [tilespmem:s23+$0xAC80];
	_ =	sdelay $0x2  }
0x73: {  	v3 =	vld [tilespmem:s23+$0xCC80];
	v1 =	vmul.f32 $3.199996760e+01, v1  }
0x74: {  	v5 =	vld [tilespmem:s23+$0xBC80];
	v2 =	vmul.f32 $3.199996760e+01, v2  }
0x75: {  	v4 =	vmul.f32 $3.199996760e+01, v4;
	v46 =	vtrunc.f32 v1  }
0x76: {  	v6 =	vcvt.f32.s32 v46  }
0x77: {  	v47 =	vtrunc.f32 v2;
	v49 =	vtrunc.f32 v4  }
0x78: {  	v7 =	vcvt.f32.s32 v47;
	v48 =	vcvt.s32.f32 v6  }
0x79: {  	v3 =	vmul.f32 v3, v5;
	v9 =	vcvt.f32.s32 v49  }
0x7a: {  	v50 =	vcvt.s32.f32 v7;
	v1 =	vsub.f32 v1, v48  }
0x7b: {  	v3 =	vpsel p0, v5, v3;
	v6 =	vmul.u32 $0x441, v6;
	v52 =	vcvt.s32.f32 v9  }
0x7c: {  	v51 =	vmul.u32 $0x21, v7;
	v2 =	vsub.f32 v2, v50;
	v1 =	vmul.f32 v3, v1  }
0x7d: {  	v4 =	vsub.f32 v4, v52  }
0x7e: {  	v5 =	vadd.s32 v6, v51;
	v53 =	vsub.f32 $1.000000000e+00, v2;
	v3 =	vsub.f32 v3, v1  }
0x7f: {  	v5 =	vadd.s32 v9, v5  }
0x80: {  	v54 =	vadd.s32 $0x1, v5;
	v7 =	vsub.f32 $1.000000000e+00, v4;
	v55 =	vmul.f32 v3, v53  }
0x81: {  	v56 =	vadd.s32 $0x21, v5  }
0x82: {  	v57 =	vadd.s32 $0x22, v5;
	v3 =	vmul.f32 v3, v2;
	v58 =	vmul.f32 v55, v7  }
0x83: {  	v59 =	vadd.s32 $0x441, v5;
	v9 =	vmul.f32 v55, v4  }
0x84: {  	v60 =	vadd.s32 $0x442, v5;
	v8 =	vmul.f32 v1, v53;
	v61 =	vmul.f32 v3, v7;
	[tilespmem:v5+s3+$0x0] =	vst.idx.add.f32.msk $0xffff, v58  }
0x85: {  	s22 =	sadd.s32 $0x1, s22;
	v62 =	vadd.s32 $0x462, v5;
	v3 =	vmul.f32 v3, v4;
	[tilespmem:v54+s3+$0x0] =	vst.idx.add.f32.msk $0xffff, v9  }
0x86: {  	p1 =	sne.s32 s22, $0x20;
	v1 =	vmul.f32 v1, v2;
	v2 =	vmul.f32 v8, v7;
	v5 =	vadd.s32 $0x463, v5;
	[tilespmem:v56+s3+$0x0] =	vst.idx.add.f32.msk $0xffff, v61  }
.Ltmp2:
0x87: {  	v63 =	vmul.f32 v8, v4;
	[tilespmem:v57+s3+$0x0] =	vst.idx.add.f32.msk $0xffff, v3;
	(pc) =	sbr.rel @p1 .LBB2_4-.Ltmp2, $4  }
0x88: {  	v3 =	vmul.f32 v1, v7;
	[tilespmem:v59+s3+$0x0] =	vst.idx.add.f32.msk $0xffff, v2  }
0x89: {  	v1 =	vmul.f32 v1, v4;
	[tilespmem:v60+s3+$0x0] =	vst.idx.add.f32.msk $0xffff, v63  }
0x8a: {  	[tilespmem:v62+s3+$0x0] =	vst.idx.add.f32.msk $0xffff, v3  }
0x8b: {  	[tilespmem:v5+s3+$0x0] =	vst.idx.add.f32.msk $0xffff, v1  }
0x8c: {  	s20 =	sadd.s32 $0x1, s20  }
0x8d: {  	p1 =	sne.s32 s20, s11  }
.Ltmp3:
0x8e: {  	_ = 	snop;
	(pc) =	sbr.rel @p1 .LBB2_1-.Ltmp3, $4  }
0x8f: {  	[hbm4b:s10+s18] =	stream.strided.scatter [tilespmem:s3], [sflag:$0x1], $0x8C80, s19, s18, $0x38;
	[tilespmem:$0xDC80] =	vst v63  }
0x90: {  	_ =	swait.ge [sflag:s13], $0x8C80  }
0x91: {  	[sflag:s13] =	ssyncset.done $0x0  }
0x92: {  	[sflag:s13] =	ssyncadd.s32 $0xFFFF7380  }
0x93: {  	_ =	sfence.sel $0x180000  }
0x94: {  	[bflag:$0x0] =	sbarrier.arrive $0xFFFF  }
0x95: {  	p0 =	sne.s32 s4, $0x0;
	_ =	strace $0x90000047  }
0x96: {  	s0 =	sadd.s32 @!p0 $0x100000, s0;
	[bflag:$0x2] =	sbarrier.arrive $0xFFFF  }
0x97: {  	[sflag:s0] =	ssyncadd.tile.s32 @!p0 $0x1;
	_ =	shalt  }
.Lfunc_end2:
_tile_overlayer_lowered:
.L_overlay_start_2:
0x98: {  	(tag) =	ssettag $0x2  }
0x99: {  	s0 =	rddreg [dreg:$0x0];
	s2 =	stileid.u32  }
0x9a: {  	s1 =	rddreg [dreg:$0x1];
	p0 =	sne.s32 s2, $0x0  }
0x9b: {  	s3 =	rddreg [dreg:$0x2];
	[bflag:$0x3] =	sbarrier.arrive $0xFFFF;
	s2 =	simm.s32 @!p0 $0x1C01  }
0x9c: {  	[timem:s3], [sflag:s2] =	dma.local @!p0 [hbm:s0], s1  }
0x9d: {  	s0 =	simm.s32 @!p0 $0x1  }
0x9e: {  	_ =	swait.ge @!p0 [sflag:s0], s1  }
0x9f: {  	s1 =	ssub.s32 @!p0 $0x0, s1;
	[sflag:s0] =	ssyncset.done @!p0 $0x0  }
0xa0: {  	[sflag:s0] =	ssyncadd.s32 @!p0 s1  }
0xa1: {  	[bflag:$0x3] =	sbarrier.arrive $0xFFFF  }
0xa2: {  	_ =	shalt  }

</sc_bundles>
